<compile_context>
chip_gen: v7x
topology: tpu7x:2x2x1
jax: 0.10.2.dev20260603
libtpu: 0.0.44.dev20260713+nightly
codegen_flags: <defaults>
</compile_context>

<pallas_src>
import functools

import jax
import jax.numpy as jnp
from jax import lax
from jax.experimental import pallas as pl
from jax.experimental.pallas import tpu as pltpu
from jax.experimental.pallas import tpu_sc as plsc

B = 16384
H = 64
V = 100000

_info = plsc.get_sparse_core_info()
_NC = _info.num_cores
_NS = _info.num_subcores
_NW = _NC * _NS
_HPW = H // _NW

_B2 = 66816
_B2LN = 33152
_TAIL = 128
_TOFF = _B2LN - 96
_BANDS = ((0, 33408, 33408), (33408, 33408, 33408), (_B2, _B2LN, V - _B2))
_BMAX = 33408


def _band_gather(idx_v, sbuf, out_v, base, bound, first):
    @plsc.parallel_loop(0, B, 16, unroll=4)
    def _(k):
        iv = idx_v[pl.ds(k, 16)]
        d = iv - base
        m = plsc.bitcast(d, jnp.uint32) < jnp.uint32(bound)
        v = plsc.load_gather(sbuf, [d], mask=m)
        val = jnp.where(m, v, 0.0)
        if first:
            out_v[pl.ds(k, 16)] = val
        else:
            plsc.addupdate(out_v.at[pl.ds(k, 16)], val)


def _sc_gather_body(tabT_p, tabT_n, tail_p, tail_n, idx_p_hbm, idx_n_hbm,
                    out_p, out_n, idx_v, sb0, sb1, ov0, ov1, sidx, s0, s1,
                    so0, so1):
    sid = lax.axis_index("s")
    wid = sid * _NC + lax.axis_index("c")
    sbufs = (sb0, sb1)
    sems = (s0, s1)
    outs = (ov0, ov1)
    osems = (so0, so1)

    units = []
    for tab, tail, ih, oh in ((tabT_p, tail_p, idx_p_hbm, out_p),
                              (tabT_n, tail_n, idx_n_hbm, out_n)):
        for j in range(_HPW):
            for band in range(3):
                units.append((tab, tail, ih, oh, j, band))
    nu = len(units)

    def slice_dma(u, bi):
        tab, tail, ih, oh, j, band = units[u]
        h = wid * _HPW + j
        off, ln, _ = _BANDS[band]
        cs = [pltpu.async_copy(tab.at[h, pl.ds(off, ln)],
                               sbufs[bi].at[pl.ds(0, ln)], sems[bi])]
        if band == 2:
            toff = pl.multiple_of(h * _TAIL, _TAIL)
            cs.append(pltpu.async_copy(tail.at[pl.ds(toff, _TAIL)],
                                       sbufs[bi].at[pl.ds(_TOFF, _TAIL)],
                                       sems[bi]))
        return cs

    cur = slice_dma(0, 0)

    @pl.when(sid == 0)
    def _():
        pltpu.sync_copy(idx_p_hbm, sidx.at[0])
        pltpu.sync_copy(idx_n_hbm, sidx.at[1])

    plsc.subcore_barrier()
    pltpu.sync_copy(sidx.at[0], idx_v)
    outcopies = [None, None]
    for u in range(nu):
        tab, tail, ih, oh, j, band = units[u]
        bi = u % 2
        nxt = slice_dma(u + 1, 1 - bi) if u + 1 < nu else None
        for c in cur:
            c.wait()
        if u == nu // 2:
            pltpu.sync_copy(sidx.at[1], idx_v)
        oi = j % 2
        if band == 0 and outcopies[oi] is not None:
            outcopies[oi].wait()
            outcopies[oi] = None
        off, _, bound = _BANDS[band]
        _band_gather(idx_v, sbufs[bi], outs[oi], off, bound, band == 0)
        if band == 2:
            outcopies[oi] = pltpu.async_copy(
                outs[oi], oh.at[wid * _HPW + j], osems[oi])
        cur = nxt
    for oc in outcopies:
        if oc is not None:
            oc.wait()


_sc_gather = functools.partial(
    pl.kernel,
    mesh=plsc.VectorSubcoreMesh(core_axis_name="c", subcore_axis_name="s"),
    out_type=[
        jax.ShapeDtypeStruct((H, B), jnp.float32),
        jax.ShapeDtypeStruct((H, B), jnp.float32),
    ],
    scratch_types=[
        pltpu.VMEM((B,), jnp.int32),
        pltpu.VMEM((_BMAX,), jnp.float32),
        pltpu.VMEM((_BMAX,), jnp.float32),
        pltpu.VMEM((B,), jnp.float32),
        pltpu.VMEM((B,), jnp.float32),
        pltpu.VMEM_SHARED((2, B), jnp.int32),
        pltpu.SemaphoreType.DMA,
        pltpu.SemaphoreType.DMA,
        pltpu.SemaphoreType.DMA,
        pltpu.SemaphoreType.DMA,
    ],
    compiler_params=pltpu.CompilerParams(needs_layout_passes=False),
)(_sc_gather_body)


_BN = 4096


def _mlp_body(pt_ref, nt_ref, w1t_ref, b1_ref, w2_ref, b2_ref,
              w3t_ref, b3_ref, o_ref):
    mm = functools.partial(jnp.dot, preferred_element_type=jnp.float32)
    w1t = w1t_ref[...]
    h = mm(w1t[:, :H], pt_ref[...]) + mm(w1t[:, H:], nt_ref[...])
    h = jnp.maximum(h + b1_ref[...].T, 0.0)
    h2 = lax.dot_general(w2_ref[...], h,
                         dimension_numbers=(((0,), (0,)), ((), ())),
                         preferred_element_type=jnp.float32)
    h2 = jnp.maximum(h2 + b2_ref[...].T, 0.0)
    o_ref[...] = mm(w3t_ref[...], h2) + b3_ref[...]


def _mlp(pt, nt, w1t, b1, w2, b2, w3t, b3):
    grid = (B // _BN,)
    return pl.pallas_call(
        _mlp_body,
        grid=grid,
        in_specs=[
            pl.BlockSpec((H, _BN), lambda i: (0, i)),
            pl.BlockSpec((H, _BN), lambda i: (0, i)),
            pl.BlockSpec((H, 2 * H), lambda i: (0, 0)),
            pl.BlockSpec((1, H), lambda i: (0, 0)),
            pl.BlockSpec((H, H), lambda i: (0, 0)),
            pl.BlockSpec((1, H), lambda i: (0, 0)),
            pl.BlockSpec((1, H), lambda i: (0, 0)),
            pl.BlockSpec((1, 1), lambda i: (0, 0)),
        ],
        out_specs=pl.BlockSpec((1, _BN), lambda i: (0, i)),
        out_shape=jax.ShapeDtypeStruct((1, B), jnp.float32),
    )(pt, nt, w1t, b1, w2, b2, w3t, b3)


def kernel(x, emb_proton, emb_neutron, W1, b1, W2, b2, W3, b3):
    x = x.astype(jnp.int32)
    idx_p = x[:, 0]
    idx_n = x[:, 1]
    tp = emb_proton.T
    tn = emb_neutron.T
    pt, nt = _sc_gather(tp, tn, tp[:, V - _TAIL:].reshape(-1),
                        tn[:, V - _TAIL:].reshape(-1), idx_p, idx_n)
    out_t = _mlp(pt, nt, W1.T, b1.reshape(1, H), W2, b2.reshape(1, H),
                 W3.reshape(1, H), b3.reshape(1, 1))
    return out_t.reshape(B, 1)

# --- scband reference (transcript-rebuilt; emitter-appended) ---
"""Pipeline reference for scband-basic-model-13331578486937 (READ-ONLY COPY).

The authoritative reference and input builder live on the scoring server;
editing this copy changes nothing except your own understanding.
"""

import jax, jax.numpy as jnp
import numpy as np

B = 16384
N_PROTONS = 100000
N_NEUTRONS = 100000
H = 64

def setup_inputs(seed: int = 0) -> dict:
    key = jax.random.key(seed)
    ks = jax.random.split(key, 10)
    x = jax.random.randint(ks[0], (B, 2), 0, N_PROTONS, dtype=jnp.int64) if jax.config.jax_enable_x64 else jax.random.randint(ks[0], (B, 2), 0, N_PROTONS).astype(jnp.int32)
    emb_proton = jax.random.uniform(ks[1], (N_PROTONS, H), dtype=jnp.float32, minval=-1.0, maxval=1.0)
    emb_neutron = jax.random.uniform(ks[2], (N_NEUTRONS, H), dtype=jnp.float32, minval=-1.0, maxval=1.0)
    W1 = jax.random.normal(ks[3], (2 * H, H), dtype=jnp.float32) * (1.0 / np.sqrt(2 * H))
    b1 = jnp.zeros((H,), dtype=jnp.float32)
    W2 = jax.random.normal(ks[4], (H, H), dtype=jnp.float32) * (1.0 / np.sqrt(H))
    b2 = jnp.zeros((H,), dtype=jnp.float32)
    W3 = jax.random.normal(ks[5], (H, 1), dtype=jnp.float32) * (1.0 / np.sqrt(H))
    b3 = jnp.zeros((1,), dtype=jnp.float32)
    return {"x": x, "emb_proton": emb_proton, "emb_neutron": emb_neutron,
            "W1": W1, "b1": b1, "W2": W2, "b2": b2, "W3": W3, "b3": b3}

def reference(x, emb_proton, emb_neutron, W1, b1, W2, b2, W3, b3):
    proton = jnp.take(emb_proton, x[:, 0], axis=0)   # [B, H]
    neutron = jnp.take(emb_neutron, x[:, 1], axis=0) # [B, H]
    h = jnp.concatenate([proton, neutron], axis=1)   # hstack -> [B, 2H]; Flatten is no-op on 2D
    h = jax.nn.relu(h @ W1 + b1)
    h = jax.nn.relu(h @ W2 + b2)
    out = h @ W3 + b3                                # [B, 1]
    return out

if __name__ == "__main__":
    import jax
    _d = setup_inputs()
    print(jax.jit(kernel)(*tuple(_d.values())))

</pallas_src>

<mosaic_0001>
#map = affine_map<(d0, d1) -> (0, 0)>
#map1 = affine_map<(d0, d1) -> (0)>
module attributes {stable_mosaic.version = 14 : i64} {
  func.func @_sc_gather_body(%arg0: i32, %arg1: i32, %arg2: memref<64x100000xf32, #tpu.memory_space<hbm>>, %arg3: memref<64x100000xf32, #tpu.memory_space<hbm>>, %arg4: memref<8192xf32, #tpu.memory_space<hbm>>, %arg5: memref<8192xf32, #tpu.memory_space<hbm>>, %arg6: memref<16384xi32, #tpu.memory_space<hbm>>, %arg7: memref<16384xi32, #tpu.memory_space<hbm>>, %arg8: memref<64x16384xf32, #tpu.memory_space<hbm>>, %arg9: memref<64x16384xf32, #tpu.memory_space<hbm>>, %arg10: memref<16384xi32, #tpu.memory_space<vmem>>, %arg11: memref<33408xf32, #tpu.memory_space<vmem>>, %arg12: memref<33408xf32, #tpu.memory_space<vmem>>, %arg13: memref<16384xf32, #tpu.memory_space<vmem>>, %arg14: memref<16384xf32, #tpu.memory_space<vmem>>, %arg15: memref<2x16384xi32, #tpu.memory_space<vmem_shared>>, %arg16: memref<!tpu.dma_semaphore, #tpu.memory_space<semaphore_mem>>, %arg17: memref<!tpu.dma_semaphore, #tpu.memory_space<semaphore_mem>>, %arg18: memref<!tpu.dma_semaphore, #tpu.memory_space<semaphore_mem>>, %arg19: memref<!tpu.dma_semaphore, #tpu.memory_space<semaphore_mem>>) attributes {dimension_semantics = [#tpu.dimension_semantics<core_parallel>, #tpu.dimension_semantics<subcore_parallel>], iteration_bounds = array<i64: 2, 16>, scalar_prefetch = 0 : i64, scratch_operands = 10 : i64, tpu.core_type = #tpu.core_type<sc_vector_subcore>, window_params = [{transform_indices = #map}, {transform_indices = #map}, {transform_indices = #map1}, {transform_indices = #map1}, {transform_indices = #map1}, {transform_indices = #map1}, {transform_indices = #map}, {transform_indices = #map}]} {
    %mul3A = arith.constant 2 : i32
    %mul3A_0 = arith.muli %arg1, %mul3A : i32
    %add3A = arith.addi %mul3A_0, %arg0 : i32
    %mul3A_1 = arith.constant 2 : i32
    %mul3A_2 = arith.muli %add3A, %mul3A_1 : i32
    %add3A_3 = arith.constant 0 : i32
    %add3A_4 = arith.addi %mul3A_2, %add3A_3 : i32
    %dma_start3A = arith.constant 0 : i32
    %dma_start3A_5 = tpu.memref_slice %arg11[%dma_start3A] : memref<33408xf32, #tpu.memory_space<vmem>> -> memref<33408xf32, #tpu.memory_space<vmem>>
    %dma_start3A_6 = arith.constant 0 : i32
    %dma_start3A_7 = tpu.memref_slice %arg2[%add3A_4, %dma_start3A_6] : memref<64x100000xf32, #tpu.memory_space<hbm>> -> memref<1x33408xf32, #tpu.memory_space<hbm>>
    %dma_start3A_8 = tpu.memref_squeeze %dma_start3A_7 : memref<1x33408xf32, #tpu.memory_space<hbm>> -> memref<33408xf32, #tpu.memory_space<hbm>>
    %dma_start3A_9 = arith.constant 0 : i32
    %dma_start3A_10 = tpu.memref_slice %arg11[%dma_start3A_9] : memref<33408xf32, #tpu.memory_space<vmem>> -> memref<33408xf32, #tpu.memory_space<vmem>>
    %dma_start3A_11 = arith.constant 0 : i32
    %dma_start3A_12 = tpu.memref_slice %arg2[%add3A_4, %dma_start3A_11] : memref<64x100000xf32, #tpu.memory_space<hbm>> -> memref<1x33408xf32, #tpu.memory_space<hbm>>
    %dma_start3A_13 = tpu.memref_squeeze %dma_start3A_12 : memref<1x33408xf32, #tpu.memory_space<hbm>> -> memref<33408xf32, #tpu.memory_space<hbm>>
    tpu.enqueue_dma source(%dma_start3A_13 : memref<33408xf32, #tpu.memory_space<hbm>>) target(%dma_start3A_10 : memref<33408xf32, #tpu.memory_space<vmem>>) target_semaphore(%arg16 : memref<!tpu.dma_semaphore, #tpu.memory_space<semaphore_mem>>)
    %eq3A = arith.constant 0 : i32
    %eq3A_14 = arith.cmpi eq, %arg1, %eq3A : i32
    %convert_element_type3A = arith.extui %eq3A_14 : i1 to i32
    %cond3A = arith.constant 0 : i32
    %cond3A_15 = arith.cmpi ne, %convert_element_type3A, %cond3A : i32
    scf.if %cond3A_15 {
      %run_scoped3A_448 = arith.constant 0 : i32
      "tpu.region"() ({
        %run_scoped3A_450 = tpu.sem_alloc : memref<!tpu.dma_semaphore, #tpu.memory_space<semaphore_mem>>
        %dma_start3A_451 = arith.constant 0 : i32
        %dma_start3A_452 = tpu.memref_slice %arg15[%run_scoped3A_448, %dma_start3A_451] : memref<2x16384xi32, #tpu.memory_space<vmem_shared>> -> memref<1x16384xi32, #tpu.memory_space<vmem_shared>>
        %dma_start3A_453 = tpu.memref_squeeze %dma_start3A_452 : memref<1x16384xi32, #tpu.memory_space<vmem_shared>> -> memref<16384xi32, #tpu.memory_space<vmem_shared>>
        tpu.enqueue_dma source(%arg6 : memref<16384xi32, #tpu.memory_space<hbm>>) target(%dma_start3A_453 : memref<16384xi32, #tpu.memory_space<vmem_shared>>) target_semaphore(%run_scoped3A_450 : memref<!tpu.dma_semaphore, #tpu.memory_space<semaphore_mem>>)
        %dma_wait3A_454 = arith.constant 0 : i32
        %dma_wait3A_455 = tpu.memref_slice %arg15[%run_scoped3A_448, %dma_wait3A_454] : memref<2x16384xi32, #tpu.memory_space<vmem_shared>> -> memref<1x16384xi32, #tpu.memory_space<vmem_shared>>
        %dma_wait3A_456 = tpu.memref_squeeze %dma_wait3A_455 : memref<1x16384xi32, #tpu.memory_space<vmem_shared>> -> memref<16384xi32, #tpu.memory_space<vmem_shared>>
        tpu.wait_dma2 semaphore(%run_scoped3A_450 : memref<!tpu.dma_semaphore, #tpu.memory_space<semaphore_mem>>) src(%arg6 : memref<16384xi32, #tpu.memory_space<hbm>>) dst(%dma_wait3A_456 : memref<16384xi32, #tpu.memory_space<vmem_shared>>)
        tpu.yield
      }) : () -> ()
      %run_scoped3A_449 = arith.constant 1 : i32
      "tpu.region"() ({
        %run_scoped3A_450 = tpu.sem_alloc : memref<!tpu.dma_semaphore, #tpu.memory_space<semaphore_mem>>
        %dma_start3A_451 = arith.constant 0 : i32
        %dma_start3A_452 = tpu.memref_slice %arg15[%run_scoped3A_449, %dma_start3A_451] : memref<2x16384xi32, #tpu.memory_space<vmem_shared>> -> memref<1x16384xi32, #tpu.memory_space<vmem_shared>>
        %dma_start3A_453 = tpu.memref_squeeze %dma_start3A_452 : memref<1x16384xi32, #tpu.memory_space<vmem_shared>> -> memref<16384xi32, #tpu.memory_space<vmem_shared>>
        tpu.enqueue_dma source(%arg7 : memref<16384xi32, #tpu.memory_space<hbm>>) target(%dma_start3A_453 : memref<16384xi32, #tpu.memory_space<vmem_shared>>) target_semaphore(%run_scoped3A_450 : memref<!tpu.dma_semaphore, #tpu.memory_space<semaphore_mem>>)
        %dma_wait3A_454 = arith.constant 0 : i32
        %dma_wait3A_455 = tpu.memref_slice %arg15[%run_scoped3A_449, %dma_wait3A_454] : memref<2x16384xi32, #tpu.memory_space<vmem_shared>> -> memref<1x16384xi32, #tpu.memory_space<vmem_shared>>
        %dma_wait3A_456 = tpu.memref_squeeze %dma_wait3A_455 : memref<1x16384xi32, #tpu.memory_space<vmem_shared>> -> memref<16384xi32, #tpu.memory_space<vmem_shared>>
        tpu.wait_dma2 semaphore(%run_scoped3A_450 : memref<!tpu.dma_semaphore, #tpu.memory_space<semaphore_mem>>) src(%arg7 : memref<16384xi32, #tpu.memory_space<hbm>>) dst(%dma_wait3A_456 : memref<16384xi32, #tpu.memory_space<vmem_shared>>)
        tpu.yield
      }) : () -> ()
    } else {
    }
    %barrier3A = arith.constant 0 : index
    tpu.barrier barrier_id(%barrier3A)
    %run_scoped3A = arith.constant 0 : i32
    "tpu.region"() ({
      %run_scoped3A_448 = tpu.sem_alloc : memref<!tpu.dma_semaphore, #tpu.memory_space<semaphore_mem>>
      %dma_start3A_449 = arith.constant 0 : i32
      %dma_start3A_450 = tpu.memref_slice %arg15[%run_scoped3A, %dma_start3A_449] : memref<2x16384xi32, #tpu.memory_space<vmem_shared>> -> memref<1x16384xi32, #tpu.memory_space<vmem_shared>>
      %dma_start3A_451 = tpu.memref_squeeze %dma_start3A_450 : memref<1x16384xi32, #tpu.memory_space<vmem_shared>> -> memref<16384xi32, #tpu.memory_space<vmem_shared>>
      %dma_start3A_452 = arith.constant 0 : i32
      %dma_start3A_453 = tpu.memref_slice %arg15[%run_scoped3A, %dma_start3A_452] : memref<2x16384xi32, #tpu.memory_space<vmem_shared>> -> memref<1x16384xi32, #tpu.memory_space<vmem_shared>>
      %dma_start3A_454 = tpu.memref_squeeze %dma_start3A_453 : memref<1x16384xi32, #tpu.memory_space<vmem_shared>> -> memref<16384xi32, #tpu.memory_space<vmem_shared>>
      tpu.enqueue_dma source(%dma_start3A_454 : memref<16384xi32, #tpu.memory_space<vmem_shared>>) target(%arg10 : memref<16384xi32, #tpu.memory_space<vmem>>) target_semaphore(%run_scoped3A_448 : memref<!tpu.dma_semaphore, #tpu.memory_space<semaphore_mem>>)
      %dma_wait3A_455 = arith.constant 0 : i32
      %dma_wait3A_456 = tpu.memref_slice %arg15[%run_scoped3A, %dma_wait3A_455] : memref<2x16384xi32, #tpu.memory_space<vmem_shared>> -> memref<1x16384xi32, #tpu.memory_space<vmem_shared>>
      %dma_wait3A_457 = tpu.memref_squeeze %dma_wait3A_456 : memref<1x16384xi32, #tpu.memory_space<vmem_shared>> -> memref<16384xi32, #tpu.memory_space<vmem_shared>>
      %dma_wait3A_458 = arith.constant 0 : i32
      %dma_wait3A_459 = tpu.memref_slice %arg15[%run_scoped3A, %dma_wait3A_458] : memref<2x16384xi32, #tpu.memory_space<vmem_shared>> -> memref<1x16384xi32, #tpu.memory_space<vmem_shared>>
      %dma_wait3A_460 = tpu.memref_squeeze %dma_wait3A_459 : memref<1x16384xi32, #tpu.memory_space<vmem_shared>> -> memref<16384xi32, #tpu.memory_space<vmem_shared>>
      tpu.wait_dma2 semaphore(%run_scoped3A_448 : memref<!tpu.dma_semaphore, #tpu.memory_space<semaphore_mem>>) src(%dma_wait3A_460 : memref<16384xi32, #tpu.memory_space<vmem_shared>>) dst(%arg10 : memref<16384xi32, #tpu.memory_space<vmem>>)
      tpu.yield
    }) : () -> ()
    %mul3A_16 = arith.constant 2 : i32
    %mul3A_17 = arith.muli %add3A, %mul3A_16 : i32
    %add3A_18 = arith.constant 0 : i32
    %add3A_19 = arith.addi %mul3A_17, %add3A_18 : i32
    %dma_start3A_20 = arith.constant 0 : i32
    %dma_start3A_21 = tpu.memref_slice %arg12[%dma_start3A_20] : memref<33408xf32, #tpu.memory_space<vmem>> -> memref<33408xf32, #tpu.memory_space<vmem>>
    %dma_start3A_22 = arith.constant 33408 : i32
    %dma_start3A_23 = tpu.memref_slice %arg2[%add3A_19, %dma_start3A_22] : memref<64x100000xf32, #tpu.memory_space<hbm>> -> memref<1x33408xf32, #tpu.memory_space<hbm>>
    %dma_start3A_24 = tpu.memref_squeeze %dma_start3A_23 : memref<1x33408xf32, #tpu.memory_space<hbm>> -> memref<33408xf32, #tpu.memory_space<hbm>>
    %dma_start3A_25 = arith.constant 0 : i32
    %dma_start3A_26 = tpu.memref_slice %arg12[%dma_start3A_25] : memref<33408xf32, #tpu.memory_space<vmem>> -> memref<33408xf32, #tpu.memory_space<vmem>>
    %dma_start3A_27 = arith.constant 33408 : i32
    %dma_start3A_28 = tpu.memref_slice %arg2[%add3A_19, %dma_start3A_27] : memref<64x100000xf32, #tpu.memory_space<hbm>> -> memref<1x33408xf32, #tpu.memory_space<hbm>>
    %dma_start3A_29 = tpu.memref_squeeze %dma_start3A_28 : memref<1x33408xf32, #tpu.memory_space<hbm>> -> memref<33408xf32, #tpu.memory_space<hbm>>
    tpu.enqueue_dma source(%dma_start3A_29 : memref<33408xf32, #tpu.memory_space<hbm>>) target(%dma_start3A_26 : memref<33408xf32, #tpu.memory_space<vmem>>) target_semaphore(%arg17 : memref<!tpu.dma_semaphore, #tpu.memory_space<semaphore_mem>>)
    %dma_wait3A = arith.constant 0 : i32
    %dma_wait3A_30 = tpu.memref_slice %arg11[%dma_wait3A] : memref<33408xf32, #tpu.memory_space<vmem>> -> memref<33408xf32, #tpu.memory_space<vmem>>
    %dma_wait3A_31 = arith.constant 0 : i32
    %dma_wait3A_32 = tpu.memref_slice %arg2[%add3A_4, %dma_wait3A_31] : memref<64x100000xf32, #tpu.memory_space<hbm>> -> memref<1x33408xf32, #tpu.memory_space<hbm>>
    %dma_wait3A_33 = tpu.memref_squeeze %dma_wait3A_32 : memref<1x33408xf32, #tpu.memory_space<hbm>> -> memref<33408xf32, #tpu.memory_space<hbm>>
    %dma_wait3A_34 = arith.constant 0 : i32
    %dma_wait3A_35 = tpu.memref_slice %arg11[%dma_wait3A_34] : memref<33408xf32, #tpu.memory_space<vmem>> -> memref<33408xf32, #tpu.memory_space<vmem>>
    %dma_wait3A_36 = arith.constant 0 : i32
    %dma_wait3A_37 = tpu.memref_slice %arg2[%add3A_4, %dma_wait3A_36] : memref<64x100000xf32, #tpu.memory_space<hbm>> -> memref<1x33408xf32, #tpu.memory_space<hbm>>
    %dma_wait3A_38 = tpu.memref_squeeze %dma_wait3A_37 : memref<1x33408xf32, #tpu.memory_space<hbm>> -> memref<33408xf32, #tpu.memory_space<hbm>>
    tpu.wait_dma2 semaphore(%arg16 : memref<!tpu.dma_semaphore, #tpu.memory_space<semaphore_mem>>) src(%dma_wait3A_38 : memref<33408xf32, #tpu.memory_space<hbm>>) dst(%dma_wait3A_35 : memref<33408xf32, #tpu.memory_space<vmem>>)
    %parallel_loop3A = arith.constant 0 : i32
    %parallel_loop3A_39 = arith.constant 16384 : i32
    %parallel_loop3A_40 = arith.constant 16 : i32
    scf.for %parallel_loop3A_448 = %parallel_loop3A to %parallel_loop3A_39 step %parallel_loop3A_40  : i32 {
      %parallel_loop3A_449 = arith.index_cast %parallel_loop3A_448 : i32 to index
      %parallel_loop3A_450 = tpu.vector_load %arg10[%parallel_loop3A_449] {strides = array<i32>} : memref<16384xi32, #tpu.memory_space<vmem>>, vector<16xi32>,
      %parallel_loop3A_451 = arith.constant 0 : i32
      %parallel_loop3A_452 = vector.broadcast %parallel_loop3A_451 : i32 to vector<16xi32>
      %parallel_loop3A_453 = arith.subi %parallel_loop3A_450, %parallel_loop3A_452 : vector<16xi32>
      %parallel_loop3A_454 = vector.bitcast %parallel_loop3A_453 : vector<16xi32> to vector<16xi32>
      %parallel_loop3A_455 = arith.constant 33408 : i32
      %parallel_loop3A_456 = vector.broadcast %parallel_loop3A_455 : i32 to vector<16xi32>
      %parallel_loop3A_457 = arith.cmpi ult, %parallel_loop3A_454, %parallel_loop3A_456 : vector<16xi32>
      %parallel_loop3A_458 = tpu.vector_load_idx %arg11[%parallel_loop3A_453] masked %parallel_loop3A_457 : memref<33408xf32, #tpu.memory_space<vmem>>[vector<16xi32>], vector<16xf32>, vector<16xi1>
      %parallel_loop3A_459 = arith.constant 0.000000e+00 : f32
      %parallel_loop3A_460 = vector.broadcast %parallel_loop3A_459 : f32 to vector<16xf32>
      %parallel_loop3A_461 = arith.select %parallel_loop3A_457, %parallel_loop3A_458, %parallel_loop3A_460 : vector<16xi1>, vector<16xf32>
      %parallel_loop3A_462 = arith.index_cast %parallel_loop3A_448 : i32 to index
      %parallel_loop3A_463 = tpu.vector_load %arg13[%parallel_loop3A_462] {strides = array<i32>} : memref<16384xf32, #tpu.memory_space<vmem>>, vector<16xf32>,
      tpu.vector_store %arg13[%parallel_loop3A_462], %parallel_loop3A_461 {strides = array<i32>} : memref<16384xf32, #tpu.memory_space<vmem>>, vector<16xf32>,
    } {sc.loop_unroll_factor = 4 : i64, sc.parallel_access}
    %mul3A_41 = arith.constant 2 : i32
    %mul3A_42 = arith.muli %add3A, %mul3A_41 : i32
    %add3A_43 = arith.constant 0 : i32
    %add3A_44 = arith.addi %mul3A_42, %add3A_43 : i32
    %dma_start3A_45 = arith.constant 0 : i32
    %dma_start3A_46 = tpu.memref_slice %arg11[%dma_start3A_45] : memref<33408xf32, #tpu.memory_space<vmem>> -> memref<33152xf32, #tpu.memory_space<vmem>>
    %dma_start3A_47 = arith.constant 66816 : i32
    %dma_start3A_48 = tpu.memref_slice %arg2[%add3A_44, %dma_start3A_47] : memref<64x100000xf32, #tpu.memory_space<hbm>> -> memref<1x33152xf32, #tpu.memory_space<hbm>>
    %dma_start3A_49 = tpu.memref_squeeze %dma_start3A_48 : memref<1x33152xf32, #tpu.memory_space<hbm>> -> memref<33152xf32, #tpu.memory_space<hbm>>
    %dma_start3A_50 = arith.constant 0 : i32
    %dma_start3A_51 = tpu.memref_slice %arg11[%dma_start3A_50] : memref<33408xf32, #tpu.memory_space<vmem>> -> memref<33152xf32, #tpu.memory_space<vmem>>
    %dma_start3A_52 = arith.constant 66816 : i32
    %dma_start3A_53 = tpu.memref_slice %arg2[%add3A_44, %dma_start3A_52] : memref<64x100000xf32, #tpu.memory_space<hbm>> -> memref<1x33152xf32, #tpu.memory_space<hbm>>
    %dma_start3A_54 = tpu.memref_squeeze %dma_start3A_53 : memref<1x33152xf32, #tpu.memory_space<hbm>> -> memref<33152xf32, #tpu.memory_space<hbm>>
    tpu.enqueue_dma source(%dma_start3A_54 : memref<33152xf32, #tpu.memory_space<hbm>>) target(%dma_start3A_51 : memref<33152xf32, #tpu.memory_space<vmem>>) target_semaphore(%arg16 : memref<!tpu.dma_semaphore, #tpu.memory_space<semaphore_mem>>)
    %mul3A_55 = arith.constant 128 : i32
    %mul3A_56 = arith.muli %add3A_44, %mul3A_55 : i32
    %multiple_of3A = tpu.assume_multiple %mul3A_56, 128 : i32
    %dma_start3A_57 = arith.constant 33056 : i32
    %dma_start3A_58 = tpu.memref_slice %arg11[%dma_start3A_57] : memref<33408xf32, #tpu.memory_space<vmem>> -> memref<128xf32, #tpu.memory_space<vmem>>
    %dma_start3A_59 = tpu.memref_slice %arg4[%multiple_of3A] : memref<8192xf32, #tpu.memory_space<hbm>> -> memref<128xf32, #tpu.memory_space<hbm>>
    %dma_start3A_60 = arith.constant 33056 : i32
    %dma_start3A_61 = tpu.memref_slice %arg11[%dma_start3A_60] : memref<33408xf32, #tpu.memory_space<vmem>> -> memref<128xf32, #tpu.memory_space<vmem>>
    %dma_start3A_62 = tpu.memref_slice %arg4[%multiple_of3A] : memref<8192xf32, #tpu.memory_space<hbm>> -> memref<128xf32, #tpu.memory_space<hbm>>
    tpu.enqueue_dma source(%dma_start3A_62 : memref<128xf32, #tpu.memory_space<hbm>>) target(%dma_start3A_61 : memref<128xf32, #tpu.memory_space<vmem>>) target_semaphore(%arg16 : memref<!tpu.dma_semaphore, #tpu.memory_space<semaphore_mem>>)
    %dma_wait3A_63 = arith.constant 0 : i32
    %dma_wait3A_64 = tpu.memref_slice %arg12[%dma_wait3A_63] : memref<33408xf32, #tpu.memory_space<vmem>> -> memref<33408xf32, #tpu.memory_space<vmem>>
    %dma_wait3A_65 = arith.constant 33408 : i32
    %dma_wait3A_66 = tpu.memref_slice %arg2[%add3A_19, %dma_wait3A_65] : memref<64x100000xf32, #tpu.memory_space<hbm>> -> memref<1x33408xf32, #tpu.memory_space<hbm>>
    %dma_wait3A_67 = tpu.memref_squeeze %dma_wait3A_66 : memref<1x33408xf32, #tpu.memory_space<hbm>> -> memref<33408xf32, #tpu.memory_space<hbm>>
    %dma_wait3A_68 = arith.constant 0 : i32
    %dma_wait3A_69 = tpu.memref_slice %arg12[%dma_wait3A_68] : memref<33408xf32, #tpu.memory_space<vmem>> -> memref<33408xf32, #tpu.memory_space<vmem>>
    %dma_wait3A_70 = arith.constant 33408 : i32
    %dma_wait3A_71 = tpu.memref_slice %arg2[%add3A_19, %dma_wait3A_70] : memref<64x100000xf32, #tpu.memory_space<hbm>> -> memref<1x33408xf32, #tpu.memory_space<hbm>>
    %dma_wait3A_72 = tpu.memref_squeeze %dma_wait3A_71 : memref<1x33408xf32, #tpu.memory_space<hbm>> -> memref<33408xf32, #tpu.memory_space<hbm>>
    tpu.wait_dma2 semaphore(%arg17 : memref<!tpu.dma_semaphore, #tpu.memory_space<semaphore_mem>>) src(%dma_wait3A_72 : memref<33408xf32, #tpu.memory_space<hbm>>) dst(%dma_wait3A_69 : memref<33408xf32, #tpu.memory_space<vmem>>)
    %parallel_loop3A_73 = arith.constant 0 : i32
    %parallel_loop3A_74 = arith.constant 16384 : i32
    %parallel_loop3A_75 = arith.constant 16 : i32
    scf.for %parallel_loop3A_448 = %parallel_loop3A_73 to %parallel_loop3A_74 step %parallel_loop3A_75  : i32 {
      %parallel_loop3A_449 = arith.index_cast %parallel_loop3A_448 : i32 to index
      %parallel_loop3A_450 = tpu.vector_load %arg10[%parallel_loop3A_449] {strides = array<i32>} : memref<16384xi32, #tpu.memory_space<vmem>>, vector<16xi32>,
      %parallel_loop3A_451 = arith.constant 33408 : i32
      %parallel_loop3A_452 = vector.broadcast %parallel_loop3A_451 : i32 to vector<16xi32>
      %parallel_loop3A_453 = arith.subi %parallel_loop3A_450, %parallel_loop3A_452 : vector<16xi32>
      %parallel_loop3A_454 = vector.bitcast %parallel_loop3A_453 : vector<16xi32> to vector<16xi32>
      %parallel_loop3A_455 = arith.constant 33408 : i32
      %parallel_loop3A_456 = vector.broadcast %parallel_loop3A_455 : i32 to vector<16xi32>
      %parallel_loop3A_457 = arith.cmpi ult, %parallel_loop3A_454, %parallel_loop3A_456 : vector<16xi32>
      %parallel_loop3A_458 = tpu.vector_load_idx %arg12[%parallel_loop3A_453] masked %parallel_loop3A_457 : memref<33408xf32, #tpu.memory_space<vmem>>[vector<16xi32>], vector<16xf32>, vector<16xi1>
      %parallel_loop3A_459 = arith.constant 0.000000e+00 : f32
      %parallel_loop3A_460 = vector.broadcast %parallel_loop3A_459 : f32 to vector<16xf32>
      %parallel_loop3A_461 = arith.select %parallel_loop3A_457, %parallel_loop3A_458, %parallel_loop3A_460 : vector<16xi1>, vector<16xf32>
      %parallel_loop3A_462 = arith.index_cast %parallel_loop3A_448 : i32 to index
      %parallel_loop3A_463 = tpu.vector_load %arg13[%parallel_loop3A_462] {strides = array<i32>} : memref<16384xf32, #tpu.memory_space<vmem>>, vector<16xf32>,
      tpu.vector_store %arg13[%parallel_loop3A_462], %parallel_loop3A_461 {add = true, strides = array<i32>} : memref<16384xf32, #tpu.memory_space<vmem>>, vector<16xf32>,
    } {sc.loop_unroll_factor = 4 : i64, sc.parallel_access}
    %mul3A_76 = arith.constant 2 : i32
    %mul3A_77 = arith.muli %add3A, %mul3A_76 : i32
    %add3A_78 = arith.constant 1 : i32
    %add3A_79 = arith.addi %mul3A_77, %add3A_78 : i32
    %dma_start3A_80 = arith.constant 0 : i32
    %dma_start3A_81 = tpu.memref_slice %arg12[%dma_start3A_80] : memref<33408xf32, #tpu.memory_space<vmem>> -> memref<33408xf32, #tpu.memory_space<vmem>>
    %dma_start3A_82 = arith.constant 0 : i32
    %dma_start3A_83 = tpu.memref_slice %arg2[%add3A_79, %dma_start3A_82] : memref<64x100000xf32, #tpu.memory_space<hbm>> -> memref<1x33408xf32, #tpu.memory_space<hbm>>
    %dma_start3A_84 = tpu.memref_squeeze %dma_start3A_83 : memref<1x33408xf32, #tpu.memory_space<hbm>> -> memref<33408xf32, #tpu.memory_space<hbm>>
    %dma_start3A_85 = arith.constant 0 : i32
    %dma_start3A_86 = tpu.memref_slice %arg12[%dma_start3A_85] : memref<33408xf32, #tpu.memory_space<vmem>> -> memref<33408xf32, #tpu.memory_space<vmem>>
    %dma_start3A_87 = arith.constant 0 : i32
    %dma_start3A_88 = tpu.memref_slice %arg2[%add3A_79, %dma_start3A_87] : memref<64x100000xf32, #tpu.memory_space<hbm>> -> memref<1x33408xf32, #tpu.memory_space<hbm>>
    %dma_start3A_89 = tpu.memref_squeeze %dma_start3A_88 : memref<1x33408xf32, #tpu.memory_space<hbm>> -> memref<33408xf32, #tpu.memory_space<hbm>>
    tpu.enqueue_dma source(%dma_start3A_89 : memref<33408xf32, #tpu.memory_space<hbm>>) target(%dma_start3A_86 : memref<33408xf32, #tpu.memory_space<vmem>>) target_semaphore(%arg17 : memref<!tpu.dma_semaphore, #tpu.memory_space<semaphore_mem>>)
    %dma_wait3A_90 = arith.constant 0 : i32
    %dma_wait3A_91 = tpu.memref_slice %arg11[%dma_wait3A_90] : memref<33408xf32, #tpu.memory_space<vmem>> -> memref<33152xf32, #tpu.memory_space<vmem>>
    %dma_wait3A_92 = arith.constant 66816 : i32
    %dma_wait3A_93 = tpu.memref_slice %arg2[%add3A_44, %dma_wait3A_92] : memref<64x100000xf32, #tpu.memory_space<hbm>> -> memref<1x33152xf32, #tpu.memory_space<hbm>>
    %dma_wait3A_94 = tpu.memref_squeeze %dma_wait3A_93 : memref<1x33152xf32, #tpu.memory_space<hbm>> -> memref<33152xf32, #tpu.memory_space<hbm>>
    %dma_wait3A_95 = arith.constant 0 : i32
    %dma_wait3A_96 = tpu.memref_slice %arg11[%dma_wait3A_95] : memref<33408xf32, #tpu.memory_space<vmem>> -> memref<33152xf32, #tpu.memory_space<vmem>>
    %dma_wait3A_97 = arith.constant 66816 : i32
    %dma_wait3A_98 = tpu.memref_slice %arg2[%add3A_44, %dma_wait3A_97] : memref<64x100000xf32, #tpu.memory_space<hbm>> -> memref<1x33152xf32, #tpu.memory_space<hbm>>
    %dma_wait3A_99 = tpu.memref_squeeze %dma_wait3A_98 : memref<1x33152xf32, #tpu.memory_space<hbm>> -> memref<33152xf32, #tpu.memory_space<hbm>>
    tpu.wait_dma2 semaphore(%arg16 : memref<!tpu.dma_semaphore, #tpu.memory_space<semaphore_mem>>) src(%dma_wait3A_99 : memref<33152xf32, #tpu.memory_space<hbm>>) dst(%dma_wait3A_96 : memref<33152xf32, #tpu.memory_space<vmem>>)
    %dma_wait3A_100 = arith.constant 33056 : i32
    %dma_wait3A_101 = tpu.memref_slice %arg11[%dma_wait3A_100] : memref<33408xf32, #tpu.memory_space<vmem>> -> memref<128xf32, #tpu.memory_space<vmem>>
    %dma_wait3A_102 = tpu.memref_slice %arg4[%multiple_of3A] : memref<8192xf32, #tpu.memory_space<hbm>> -> memref<128xf32, #tpu.memory_space<hbm>>
    %dma_wait3A_103 = arith.constant 33056 : i32
    %dma_wait3A_104 = tpu.memref_slice %arg11[%dma_wait3A_103] : memref<33408xf32, #tpu.memory_space<vmem>> -> memref<128xf32, #tpu.memory_space<vmem>>
    %dma_wait3A_105 = tpu.memref_slice %arg4[%multiple_of3A] : memref<8192xf32, #tpu.memory_space<hbm>> -> memref<128xf32, #tpu.memory_space<hbm>>
    tpu.wait_dma2 semaphore(%arg16 : memref<!tpu.dma_semaphore, #tpu.memory_space<semaphore_mem>>) src(%dma_wait3A_105 : memref<128xf32, #tpu.memory_space<hbm>>) dst(%dma_wait3A_104 : memref<128xf32, #tpu.memory_space<vmem>>)
    %parallel_loop3A_106 = arith.constant 0 : i32
    %parallel_loop3A_107 = arith.constant 16384 : i32
    %parallel_loop3A_108 = arith.constant 16 : i32
    scf.for %parallel_loop3A_448 = %parallel_loop3A_106 to %parallel_loop3A_107 step %parallel_loop3A_108  : i32 {
      %parallel_loop3A_449 = arith.index_cast %parallel_loop3A_448 : i32 to index
      %parallel_loop3A_450 = tpu.vector_load %arg10[%parallel_loop3A_449] {strides = array<i32>} : memref<16384xi32, #tpu.memory_space<vmem>>, vector<16xi32>,
      %parallel_loop3A_451 = arith.constant 66816 : i32
      %parallel_loop3A_452 = vector.broadcast %parallel_loop3A_451 : i32 to vector<16xi32>
      %parallel_loop3A_453 = arith.subi %parallel_loop3A_450, %parallel_loop3A_452 : vector<16xi32>
      %parallel_loop3A_454 = vector.bitcast %parallel_loop3A_453 : vector<16xi32> to vector<16xi32>
      %parallel_loop3A_455 = arith.constant 33184 : i32
      %parallel_loop3A_456 = vector.broadcast %parallel_loop3A_455 : i32 to vector<16xi32>
      %parallel_loop3A_457 = arith.cmpi ult, %parallel_loop3A_454, %parallel_loop3A_456 : vector<16xi32>
      %parallel_loop3A_458 = tpu.vector_load_idx %arg11[%parallel_loop3A_453] masked %parallel_loop3A_457 : memref<33408xf32, #tpu.memory_space<vmem>>[vector<16xi32>], vector<16xf32>, vector<16xi1>
      %parallel_loop3A_459 = arith.constant 0.000000e+00 : f32
      %parallel_loop3A_460 = vector.broadcast %parallel_loop3A_459 : f32 to vector<16xf32>
      %parallel_loop3A_461 = arith.select %parallel_loop3A_457, %parallel_loop3A_458, %parallel_loop3A_460 : vector<16xi1>, vector<16xf32>
      %parallel_loop3A_462 = arith.index_cast %parallel_loop3A_448 : i32 to index
      %parallel_loop3A_463 = tpu.vector_load %arg13[%parallel_loop3A_462] {strides = array<i32>} : memref<16384xf32, #tpu.memory_space<vmem>>, vector<16xf32>,
      tpu.vector_store %arg13[%parallel_loop3A_462], %parallel_loop3A_461 {add = true, strides = array<i32>} : memref<16384xf32, #tpu.memory_space<vmem>>, vector<16xf32>,
    } {sc.loop_unroll_factor = 4 : i64, sc.parallel_access}
    %mul3A_109 = arith.constant 2 : i32
    %mul3A_110 = arith.muli %add3A, %mul3A_109 : i32
    %add3A_111 = arith.constant 0 : i32
    %add3A_112 = arith.addi %mul3A_110, %add3A_111 : i32
    %dma_start3A_113 = arith.constant 0 : i32
    %dma_start3A_114 = tpu.memref_slice %arg8[%add3A_112, %dma_start3A_113] : memref<64x16384xf32, #tpu.memory_space<hbm>> -> memref<1x16384xf32, #tpu.memory_space<hbm>>
    %dma_start3A_115 = tpu.memref_squeeze %dma_start3A_114 : memref<1x16384xf32, #tpu.memory_space<hbm>> -> memref<16384xf32, #tpu.memory_space<hbm>>
    %dma_start3A_116 = arith.constant 0 : i32
    %dma_start3A_117 = tpu.memref_slice %arg8[%add3A_112, %dma_start3A_116] : memref<64x16384xf32, #tpu.memory_space<hbm>> -> memref<1x16384xf32, #tpu.memory_space<hbm>>
    %dma_start3A_118 = tpu.memref_squeeze %dma_start3A_117 : memref<1x16384xf32, #tpu.memory_space<hbm>> -> memref<16384xf32, #tpu.memory_space<hbm>>
    tpu.enqueue_dma source(%arg13 : memref<16384xf32, #tpu.memory_space<vmem>>) target(%dma_start3A_118 : memref<16384xf32, #tpu.memory_space<hbm>>) target_semaphore(%arg18 : memref<!tpu.dma_semaphore, #tpu.memory_space<semaphore_mem>>)
    %mul3A_119 = arith.constant 2 : i32
    %mul3A_120 = arith.muli %add3A, %mul3A_119 : i32
    %add3A_121 = arith.constant 1 : i32
    %add3A_122 = arith.addi %mul3A_120, %add3A_121 : i32
    %dma_start3A_123 = arith.constant 0 : i32
    %dma_start3A_124 = tpu.memref_slice %arg11[%dma_start3A_123] : memref<33408xf32, #tpu.memory_space<vmem>> -> memref<33408xf32, #tpu.memory_space<vmem>>
    %dma_start3A_125 = arith.constant 33408 : i32
    %dma_start3A_126 = tpu.memref_slice %arg2[%add3A_122, %dma_start3A_125] : memref<64x100000xf32, #tpu.memory_space<hbm>> -> memref<1x33408xf32, #tpu.memory_space<hbm>>
    %dma_start3A_127 = tpu.memref_squeeze %dma_start3A_126 : memref<1x33408xf32, #tpu.memory_space<hbm>> -> memref<33408xf32, #tpu.memory_space<hbm>>
    %dma_start3A_128 = arith.constant 0 : i32
    %dma_start3A_129 = tpu.memref_slice %arg11[%dma_start3A_128] : memref<33408xf32, #tpu.memory_space<vmem>> -> memref<33408xf32, #tpu.memory_space<vmem>>
    %dma_start3A_130 = arith.constant 33408 : i32
    %dma_start3A_131 = tpu.memref_slice %arg2[%add3A_122, %dma_start3A_130] : memref<64x100000xf32, #tpu.memory_space<hbm>> -> memref<1x33408xf32, #tpu.memory_space<hbm>>
    %dma_start3A_132 = tpu.memref_squeeze %dma_start3A_131 : memref<1x33408xf32, #tpu.memory_space<hbm>> -> memref<33408xf32, #tpu.memory_space<hbm>>
    tpu.enqueue_dma source(%dma_start3A_132 : memref<33408xf32, #tpu.memory_space<hbm>>) target(%dma_start3A_129 : memref<33408xf32, #tpu.memory_space<vmem>>) target_semaphore(%arg16 : memref<!tpu.dma_semaphore, #tpu.memory_space<semaphore_mem>>)
    %dma_wait3A_133 = arith.constant 0 : i32
    %dma_wait3A_134 = tpu.memref_slice %arg12[%dma_wait3A_133] : memref<33408xf32, #tpu.memory_space<vmem>> -> memref<33408xf32, #tpu.memory_space<vmem>>
    %dma_wait3A_135 = arith.constant 0 : i32
    %dma_wait3A_136 = tpu.memref_slice %arg2[%add3A_79, %dma_wait3A_135] : memref<64x100000xf32, #tpu.memory_space<hbm>> -> memref<1x33408xf32, #tpu.memory_space<hbm>>
    %dma_wait3A_137 = tpu.memref_squeeze %dma_wait3A_136 : memref<1x33408xf32, #tpu.memory_space<hbm>> -> memref<33408xf32, #tpu.memory_space<hbm>>
    %dma_wait3A_138 = arith.constant 0 : i32
    %dma_wait3A_139 = tpu.memref_slice %arg12[%dma_wait3A_138] : memref<33408xf32, #tpu.memory_space<vmem>> -> memref<33408xf32, #tpu.memory_space<vmem>>
    %dma_wait3A_140 = arith.constant 0 : i32
    %dma_wait3A_141 = tpu.memref_slice %arg2[%add3A_79, %dma_wait3A_140] : memref<64x100000xf32, #tpu.memory_space<hbm>> -> memref<1x33408xf32, #tpu.memory_space<hbm>>
    %dma_wait3A_142 = tpu.memref_squeeze %dma_wait3A_141 : memref<1x33408xf32, #tpu.memory_space<hbm>> -> memref<33408xf32, #tpu.memory_space<hbm>>
    tpu.wait_dma2 semaphore(%arg17 : memref<!tpu.dma_semaphore, #tpu.memory_space<semaphore_mem>>) src(%dma_wait3A_142 : memref<33408xf32, #tpu.memory_space<hbm>>) dst(%dma_wait3A_139 : memref<33408xf32, #tpu.memory_space<vmem>>)
    %parallel_loop3A_143 = arith.constant 0 : i32
    %parallel_loop3A_144 = arith.constant 16384 : i32
    %parallel_loop3A_145 = arith.constant 16 : i32
    scf.for %parallel_loop3A_448 = %parallel_loop3A_143 to %parallel_loop3A_144 step %parallel_loop3A_145  : i32 {
      %parallel_loop3A_449 = arith.index_cast %parallel_loop3A_448 : i32 to index
      %parallel_loop3A_450 = tpu.vector_load %arg10[%parallel_loop3A_449] {strides = array<i32>} : memref<16384xi32, #tpu.memory_space<vmem>>, vector<16xi32>,
      %parallel_loop3A_451 = arith.constant 0 : i32
      %parallel_loop3A_452 = vector.broadcast %parallel_loop3A_451 : i32 to vector<16xi32>
      %parallel_loop3A_453 = arith.subi %parallel_loop3A_450, %parallel_loop3A_452 : vector<16xi32>
      %parallel_loop3A_454 = vector.bitcast %parallel_loop3A_453 : vector<16xi32> to vector<16xi32>
      %parallel_loop3A_455 = arith.constant 33408 : i32
      %parallel_loop3A_456 = vector.broadcast %parallel_loop3A_455 : i32 to vector<16xi32>
      %parallel_loop3A_457 = arith.cmpi ult, %parallel_loop3A_454, %parallel_loop3A_456 : vector<16xi32>
      %parallel_loop3A_458 = tpu.vector_load_idx %arg12[%parallel_loop3A_453] masked %parallel_loop3A_457 : memref<33408xf32, #tpu.memory_space<vmem>>[vector<16xi32>], vector<16xf32>, vector<16xi1>
      %parallel_loop3A_459 = arith.constant 0.000000e+00 : f32
      %parallel_loop3A_460 = vector.broadcast %parallel_loop3A_459 : f32 to vector<16xf32>
      %parallel_loop3A_461 = arith.select %parallel_loop3A_457, %parallel_loop3A_458, %parallel_loop3A_460 : vector<16xi1>, vector<16xf32>
      %parallel_loop3A_462 = arith.index_cast %parallel_loop3A_448 : i32 to index
      %parallel_loop3A_463 = tpu.vector_load %arg14[%parallel_loop3A_462] {strides = array<i32>} : memref<16384xf32, #tpu.memory_space<vmem>>, vector<16xf32>,
      tpu.vector_store %arg14[%parallel_loop3A_462], %parallel_loop3A_461 {strides = array<i32>} : memref<16384xf32, #tpu.memory_space<vmem>>, vector<16xf32>,
    } {sc.loop_unroll_factor = 4 : i64, sc.parallel_access}
    %mul3A_146 = arith.constant 2 : i32
    %mul3A_147 = arith.muli %add3A, %mul3A_146 : i32
    %add3A_148 = arith.constant 1 : i32
    %add3A_149 = arith.addi %mul3A_147, %add3A_148 : i32
    %dma_start3A_150 = arith.constant 0 : i32
    %dma_start3A_151 = tpu.memref_slice %arg12[%dma_start3A_150] : memref<33408xf32, #tpu.memory_space<vmem>> -> memref<33152xf32, #tpu.memory_space<vmem>>
    %dma_start3A_152 = arith.constant 66816 : i32
    %dma_start3A_153 = tpu.memref_slice %arg2[%add3A_149, %dma_start3A_152] : memref<64x100000xf32, #tpu.memory_space<hbm>> -> memref<1x33152xf32, #tpu.memory_space<hbm>>
    %dma_start3A_154 = tpu.memref_squeeze %dma_start3A_153 : memref<1x33152xf32, #tpu.memory_space<hbm>> -> memref<33152xf32, #tpu.memory_space<hbm>>
    %dma_start3A_155 = arith.constant 0 : i32
    %dma_start3A_156 = tpu.memref_slice %arg12[%dma_start3A_155] : memref<33408xf32, #tpu.memory_space<vmem>> -> memref<33152xf32, #tpu.memory_space<vmem>>
    %dma_start3A_157 = arith.constant 66816 : i32
    %dma_start3A_158 = tpu.memref_slice %arg2[%add3A_149, %dma_start3A_157] : memref<64x100000xf32, #tpu.memory_space<hbm>> -> memref<1x33152xf32, #tpu.memory_space<hbm>>
    %dma_start3A_159 = tpu.memref_squeeze %dma_start3A_158 : memref<1x33152xf32, #tpu.memory_space<hbm>> -> memref<33152xf32, #tpu.memory_space<hbm>>
    tpu.enqueue_dma source(%dma_start3A_159 : memref<33152xf32, #tpu.memory_space<hbm>>) target(%dma_start3A_156 : memref<33152xf32, #tpu.memory_space<vmem>>) target_semaphore(%arg17 : memref<!tpu.dma_semaphore, #tpu.memory_space<semaphore_mem>>)
    %mul3A_160 = arith.constant 128 : i32
    %mul3A_161 = arith.muli %add3A_149, %mul3A_160 : i32
    %multiple_of3A_162 = tpu.assume_multiple %mul3A_161, 128 : i32
    %dma_start3A_163 = arith.constant 33056 : i32
    %dma_start3A_164 = tpu.memref_slice %arg12[%dma_start3A_163] : memref<33408xf32, #tpu.memory_space<vmem>> -> memref<128xf32, #tpu.memory_space<vmem>>
    %dma_start3A_165 = tpu.memref_slice %arg4[%multiple_of3A_162] : memref<8192xf32, #tpu.memory_space<hbm>> -> memref<128xf32, #tpu.memory_space<hbm>>
    %dma_start3A_166 = arith.constant 33056 : i32
    %dma_start3A_167 = tpu.memref_slice %arg12[%dma_start3A_166] : memref<33408xf32, #tpu.memory_space<vmem>> -> memref<128xf32, #tpu.memory_space<vmem>>
    %dma_start3A_168 = tpu.memref_slice %arg4[%multiple_of3A_162] : memref<8192xf32, #tpu.memory_space<hbm>> -> memref<128xf32, #tpu.memory_space<hbm>>
    tpu.enqueue_dma source(%dma_start3A_168 : memref<128xf32, #tpu.memory_space<hbm>>) target(%dma_start3A_167 : memref<128xf32, #tpu.memory_space<vmem>>) target_semaphore(%arg17 : memref<!tpu.dma_semaphore, #tpu.memory_space<semaphore_mem>>)
    %dma_wait3A_169 = arith.constant 0 : i32
    %dma_wait3A_170 = tpu.memref_slice %arg11[%dma_wait3A_169] : memref<33408xf32, #tpu.memory_space<vmem>> -> memref<33408xf32, #tpu.memory_space<vmem>>
    %dma_wait3A_171 = arith.constant 33408 : i32
    %dma_wait3A_172 = tpu.memref_slice %arg2[%add3A_122, %dma_wait3A_171] : memref<64x100000xf32, #tpu.memory_space<hbm>> -> memref<1x33408xf32, #tpu.memory_space<hbm>>
    %dma_wait3A_173 = tpu.memref_squeeze %dma_wait3A_172 : memref<1x33408xf32, #tpu.memory_space<hbm>> -> memref<33408xf32, #tpu.memory_space<hbm>>
    %dma_wait3A_174 = arith.constant 0 : i32
    %dma_wait3A_175 = tpu.memref_slice %arg11[%dma_wait3A_174] : memref<33408xf32, #tpu.memory_space<vmem>> -> memref<33408xf32, #tpu.memory_space<vmem>>
    %dma_wait3A_176 = arith.constant 33408 : i32
    %dma_wait3A_177 = tpu.memref_slice %arg2[%add3A_122, %dma_wait3A_176] : memref<64x100000xf32, #tpu.memory_space<hbm>> -> memref<1x33408xf32, #tpu.memory_space<hbm>>
    %dma_wait3A_178 = tpu.memref_squeeze %dma_wait3A_177 : memref<1x33408xf32, #tpu.memory_space<hbm>> -> memref<33408xf32, #tpu.memory_space<hbm>>
    tpu.wait_dma2 semaphore(%arg16 : memref<!tpu.dma_semaphore, #tpu.memory_space<semaphore_mem>>) src(%dma_wait3A_178 : memref<33408xf32, #tpu.memory_space<hbm>>) dst(%dma_wait3A_175 : memref<33408xf32, #tpu.memory_space<vmem>>)
    %parallel_loop3A_179 = arith.constant 0 : i32
    %parallel_loop3A_180 = arith.constant 16384 : i32
    %parallel_loop3A_181 = arith.constant 16 : i32
    scf.for %parallel_loop3A_448 = %parallel_loop3A_179 to %parallel_loop3A_180 step %parallel_loop3A_181  : i32 {
      %parallel_loop3A_449 = arith.index_cast %parallel_loop3A_448 : i32 to index
      %parallel_loop3A_450 = tpu.vector_load %arg10[%parallel_loop3A_449] {strides = array<i32>} : memref<16384xi32, #tpu.memory_space<vmem>>, vector<16xi32>,
      %parallel_loop3A_451 = arith.constant 33408 : i32
      %parallel_loop3A_452 = vector.broadcast %parallel_loop3A_451 : i32 to vector<16xi32>
      %parallel_loop3A_453 = arith.subi %parallel_loop3A_450, %parallel_loop3A_452 : vector<16xi32>
      %parallel_loop3A_454 = vector.bitcast %parallel_loop3A_453 : vector<16xi32> to vector<16xi32>
      %parallel_loop3A_455 = arith.constant 33408 : i32
      %parallel_loop3A_456 = vector.broadcast %parallel_loop3A_455 : i32 to vector<16xi32>
      %parallel_loop3A_457 = arith.cmpi ult, %parallel_loop3A_454, %parallel_loop3A_456 : vector<16xi32>
      %parallel_loop3A_458 = tpu.vector_load_idx %arg11[%parallel_loop3A_453] masked %parallel_loop3A_457 : memref<33408xf32, #tpu.memory_space<vmem>>[vector<16xi32>], vector<16xf32>, vector<16xi1>
      %parallel_loop3A_459 = arith.constant 0.000000e+00 : f32
      %parallel_loop3A_460 = vector.broadcast %parallel_loop3A_459 : f32 to vector<16xf32>
      %parallel_loop3A_461 = arith.select %parallel_loop3A_457, %parallel_loop3A_458, %parallel_loop3A_460 : vector<16xi1>, vector<16xf32>
      %parallel_loop3A_462 = arith.index_cast %parallel_loop3A_448 : i32 to index
      %parallel_loop3A_463 = tpu.vector_load %arg14[%parallel_loop3A_462] {strides = array<i32>} : memref<16384xf32, #tpu.memory_space<vmem>>, vector<16xf32>,
      tpu.vector_store %arg14[%parallel_loop3A_462], %parallel_loop3A_461 {add = true, strides = array<i32>} : memref<16384xf32, #tpu.memory_space<vmem>>, vector<16xf32>,
    } {sc.loop_unroll_factor = 4 : i64, sc.parallel_access}
    %mul3A_182 = arith.constant 2 : i32
    %mul3A_183 = arith.muli %add3A, %mul3A_182 : i32
    %add3A_184 = arith.constant 0 : i32
    %add3A_185 = arith.addi %mul3A_183, %add3A_184 : i32
    %dma_start3A_186 = arith.constant 0 : i32
    %dma_start3A_187 = tpu.memref_slice %arg11[%dma_start3A_186] : memref<33408xf32, #tpu.memory_space<vmem>> -> memref<33408xf32, #tpu.memory_space<vmem>>
    %dma_start3A_188 = arith.constant 0 : i32
    %dma_start3A_189 = tpu.memref_slice %arg3[%add3A_185, %dma_start3A_188] : memref<64x100000xf32, #tpu.memory_space<hbm>> -> memref<1x33408xf32, #tpu.memory_space<hbm>>
    %dma_start3A_190 = tpu.memref_squeeze %dma_start3A_189 : memref<1x33408xf32, #tpu.memory_space<hbm>> -> memref<33408xf32, #tpu.memory_space<hbm>>
    %dma_start3A_191 = arith.constant 0 : i32
    %dma_start3A_192 = tpu.memref_slice %arg11[%dma_start3A_191] : memref<33408xf32, #tpu.memory_space<vmem>> -> memref<33408xf32, #tpu.memory_space<vmem>>
    %dma_start3A_193 = arith.constant 0 : i32
    %dma_start3A_194 = tpu.memref_slice %arg3[%add3A_185, %dma_start3A_193] : memref<64x100000xf32, #tpu.memory_space<hbm>> -> memref<1x33408xf32, #tpu.memory_space<hbm>>
    %dma_start3A_195 = tpu.memref_squeeze %dma_start3A_194 : memref<1x33408xf32, #tpu.memory_space<hbm>> -> memref<33408xf32, #tpu.memory_space<hbm>>
    tpu.enqueue_dma source(%dma_start3A_195 : memref<33408xf32, #tpu.memory_space<hbm>>) target(%dma_start3A_192 : memref<33408xf32, #tpu.memory_space<vmem>>) target_semaphore(%arg16 : memref<!tpu.dma_semaphore, #tpu.memory_space<semaphore_mem>>)
    %dma_wait3A_196 = arith.constant 0 : i32
    %dma_wait3A_197 = tpu.memref_slice %arg12[%dma_wait3A_196] : memref<33408xf32, #tpu.memory_space<vmem>> -> memref<33152xf32, #tpu.memory_space<vmem>>
    %dma_wait3A_198 = arith.constant 66816 : i32
    %dma_wait3A_199 = tpu.memref_slice %arg2[%add3A_149, %dma_wait3A_198] : memref<64x100000xf32, #tpu.memory_space<hbm>> -> memref<1x33152xf32, #tpu.memory_space<hbm>>
    %dma_wait3A_200 = tpu.memref_squeeze %dma_wait3A_199 : memref<1x33152xf32, #tpu.memory_space<hbm>> -> memref<33152xf32, #tpu.memory_space<hbm>>
    %dma_wait3A_201 = arith.constant 0 : i32
    %dma_wait3A_202 = tpu.memref_slice %arg12[%dma_wait3A_201] : memref<33408xf32, #tpu.memory_space<vmem>> -> memref<33152xf32, #tpu.memory_space<vmem>>
    %dma_wait3A_203 = arith.constant 66816 : i32
    %dma_wait3A_204 = tpu.memref_slice %arg2[%add3A_149, %dma_wait3A_203] : memref<64x100000xf32, #tpu.memory_space<hbm>> -> memref<1x33152xf32, #tpu.memory_space<hbm>>
    %dma_wait3A_205 = tpu.memref_squeeze %dma_wait3A_204 : memref<1x33152xf32, #tpu.memory_space<hbm>> -> memref<33152xf32, #tpu.memory_space<hbm>>
    tpu.wait_dma2 semaphore(%arg17 : memref<!tpu.dma_semaphore, #tpu.memory_space<semaphore_mem>>) src(%dma_wait3A_205 : memref<33152xf32, #tpu.memory_space<hbm>>) dst(%dma_wait3A_202 : memref<33152xf32, #tpu.memory_space<vmem>>)
    %dma_wait3A_206 = arith.constant 33056 : i32
    %dma_wait3A_207 = tpu.memref_slice %arg12[%dma_wait3A_206] : memref<33408xf32, #tpu.memory_space<vmem>> -> memref<128xf32, #tpu.memory_space<vmem>>
    %dma_wait3A_208 = tpu.memref_slice %arg4[%multiple_of3A_162] : memref<8192xf32, #tpu.memory_space<hbm>> -> memref<128xf32, #tpu.memory_space<hbm>>
    %dma_wait3A_209 = arith.constant 33056 : i32
    %dma_wait3A_210 = tpu.memref_slice %arg12[%dma_wait3A_209] : memref<33408xf32, #tpu.memory_space<vmem>> -> memref<128xf32, #tpu.memory_space<vmem>>
    %dma_wait3A_211 = tpu.memref_slice %arg4[%multiple_of3A_162] : memref<8192xf32, #tpu.memory_space<hbm>> -> memref<128xf32, #tpu.memory_space<hbm>>
    tpu.wait_dma2 semaphore(%arg17 : memref<!tpu.dma_semaphore, #tpu.memory_space<semaphore_mem>>) src(%dma_wait3A_211 : memref<128xf32, #tpu.memory_space<hbm>>) dst(%dma_wait3A_210 : memref<128xf32, #tpu.memory_space<vmem>>)
    %parallel_loop3A_212 = arith.constant 0 : i32
    %parallel_loop3A_213 = arith.constant 16384 : i32
    %parallel_loop3A_214 = arith.constant 16 : i32
    scf.for %parallel_loop3A_448 = %parallel_loop3A_212 to %parallel_loop3A_213 step %parallel_loop3A_214  : i32 {
      %parallel_loop3A_449 = arith.index_cast %parallel_loop3A_448 : i32 to index
      %parallel_loop3A_450 = tpu.vector_load %arg10[%parallel_loop3A_449] {strides = array<i32>} : memref<16384xi32, #tpu.memory_space<vmem>>, vector<16xi32>,
      %parallel_loop3A_451 = arith.constant 66816 : i32
      %parallel_loop3A_452 = vector.broadcast %parallel_loop3A_451 : i32 to vector<16xi32>
      %parallel_loop3A_453 = arith.subi %parallel_loop3A_450, %parallel_loop3A_452 : vector<16xi32>
      %parallel_loop3A_454 = vector.bitcast %parallel_loop3A_453 : vector<16xi32> to vector<16xi32>
      %parallel_loop3A_455 = arith.constant 33184 : i32
      %parallel_loop3A_456 = vector.broadcast %parallel_loop3A_455 : i32 to vector<16xi32>
      %parallel_loop3A_457 = arith.cmpi ult, %parallel_loop3A_454, %parallel_loop3A_456 : vector<16xi32>
      %parallel_loop3A_458 = tpu.vector_load_idx %arg12[%parallel_loop3A_453] masked %parallel_loop3A_457 : memref<33408xf32, #tpu.memory_space<vmem>>[vector<16xi32>], vector<16xf32>, vector<16xi1>
      %parallel_loop3A_459 = arith.constant 0.000000e+00 : f32
      %parallel_loop3A_460 = vector.broadcast %parallel_loop3A_459 : f32 to vector<16xf32>
      %parallel_loop3A_461 = arith.select %parallel_loop3A_457, %parallel_loop3A_458, %parallel_loop3A_460 : vector<16xi1>, vector<16xf32>
      %parallel_loop3A_462 = arith.index_cast %parallel_loop3A_448 : i32 to index
      %parallel_loop3A_463 = tpu.vector_load %arg14[%parallel_loop3A_462] {strides = array<i32>} : memref<16384xf32, #tpu.memory_space<vmem>>, vector<16xf32>,
      tpu.vector_store %arg14[%parallel_loop3A_462], %parallel_loop3A_461 {add = true, strides = array<i32>} : memref<16384xf32, #tpu.memory_space<vmem>>, vector<16xf32>,
    } {sc.loop_unroll_factor = 4 : i64, sc.parallel_access}
    %mul3A_215 = arith.constant 2 : i32
    %mul3A_216 = arith.muli %add3A, %mul3A_215 : i32
    %add3A_217 = arith.constant 1 : i32
    %add3A_218 = arith.addi %mul3A_216, %add3A_217 : i32
    %dma_start3A_219 = arith.constant 0 : i32
    %dma_start3A_220 = tpu.memref_slice %arg8[%add3A_218, %dma_start3A_219] : memref<64x16384xf32, #tpu.memory_space<hbm>> -> memref<1x16384xf32, #tpu.memory_space<hbm>>
    %dma_start3A_221 = tpu.memref_squeeze %dma_start3A_220 : memref<1x16384xf32, #tpu.memory_space<hbm>> -> memref<16384xf32, #tpu.memory_space<hbm>>
    %dma_start3A_222 = arith.constant 0 : i32
    %dma_start3A_223 = tpu.memref_slice %arg8[%add3A_218, %dma_start3A_222] : memref<64x16384xf32, #tpu.memory_space<hbm>> -> memref<1x16384xf32, #tpu.memory_space<hbm>>
    %dma_start3A_224 = tpu.memref_squeeze %dma_start3A_223 : memref<1x16384xf32, #tpu.memory_space<hbm>> -> memref<16384xf32, #tpu.memory_space<hbm>>
    tpu.enqueue_dma source(%arg14 : memref<16384xf32, #tpu.memory_space<vmem>>) target(%dma_start3A_224 : memref<16384xf32, #tpu.memory_space<hbm>>) target_semaphore(%arg19 : memref<!tpu.dma_semaphore, #tpu.memory_space<semaphore_mem>>)
    %mul3A_225 = arith.constant 2 : i32
    %mul3A_226 = arith.muli %add3A, %mul3A_225 : i32
    %add3A_227 = arith.constant 0 : i32
    %add3A_228 = arith.addi %mul3A_226, %add3A_227 : i32
    %dma_start3A_229 = arith.constant 0 : i32
    %dma_start3A_230 = tpu.memref_slice %arg12[%dma_start3A_229] : memref<33408xf32, #tpu.memory_space<vmem>> -> memref<33408xf32, #tpu.memory_space<vmem>>
    %dma_start3A_231 = arith.constant 33408 : i32
    %dma_start3A_232 = tpu.memref_slice %arg3[%add3A_228, %dma_start3A_231] : memref<64x100000xf32, #tpu.memory_space<hbm>> -> memref<1x33408xf32, #tpu.memory_space<hbm>>
    %dma_start3A_233 = tpu.memref_squeeze %dma_start3A_232 : memref<1x33408xf32, #tpu.memory_space<hbm>> -> memref<33408xf32, #tpu.memory_space<hbm>>
    %dma_start3A_234 = arith.constant 0 : i32
    %dma_start3A_235 = tpu.memref_slice %arg12[%dma_start3A_234] : memref<33408xf32, #tpu.memory_space<vmem>> -> memref<33408xf32, #tpu.memory_space<vmem>>
    %dma_start3A_236 = arith.constant 33408 : i32
    %dma_start3A_237 = tpu.memref_slice %arg3[%add3A_228, %dma_start3A_236] : memref<64x100000xf32, #tpu.memory_space<hbm>> -> memref<1x33408xf32, #tpu.memory_space<hbm>>
    %dma_start3A_238 = tpu.memref_squeeze %dma_start3A_237 : memref<1x33408xf32, #tpu.memory_space<hbm>> -> memref<33408xf32, #tpu.memory_space<hbm>>
    tpu.enqueue_dma source(%dma_start3A_238 : memref<33408xf32, #tpu.memory_space<hbm>>) target(%dma_start3A_235 : memref<33408xf32, #tpu.memory_space<vmem>>) target_semaphore(%arg17 : memref<!tpu.dma_semaphore, #tpu.memory_space<semaphore_mem>>)
    %dma_wait3A_239 = arith.constant 0 : i32
    %dma_wait3A_240 = tpu.memref_slice %arg11[%dma_wait3A_239] : memref<33408xf32, #tpu.memory_space<vmem>> -> memref<33408xf32, #tpu.memory_space<vmem>>
    %dma_wait3A_241 = arith.constant 0 : i32
    %dma_wait3A_242 = tpu.memref_slice %arg3[%add3A_185, %dma_wait3A_241] : memref<64x100000xf32, #tpu.memory_space<hbm>> -> memref<1x33408xf32, #tpu.memory_space<hbm>>
    %dma_wait3A_243 = tpu.memref_squeeze %dma_wait3A_242 : memref<1x33408xf32, #tpu.memory_space<hbm>> -> memref<33408xf32, #tpu.memory_space<hbm>>
    %dma_wait3A_244 = arith.constant 0 : i32
    %dma_wait3A_245 = tpu.memref_slice %arg11[%dma_wait3A_244] : memref<33408xf32, #tpu.memory_space<vmem>> -> memref<33408xf32, #tpu.memory_space<vmem>>
    %dma_wait3A_246 = arith.constant 0 : i32
    %dma_wait3A_247 = tpu.memref_slice %arg3[%add3A_185, %dma_wait3A_246] : memref<64x100000xf32, #tpu.memory_space<hbm>> -> memref<1x33408xf32, #tpu.memory_space<hbm>>
    %dma_wait3A_248 = tpu.memref_squeeze %dma_wait3A_247 : memref<1x33408xf32, #tpu.memory_space<hbm>> -> memref<33408xf32, #tpu.memory_space<hbm>>
    tpu.wait_dma2 semaphore(%arg16 : memref<!tpu.dma_semaphore, #tpu.memory_space<semaphore_mem>>) src(%dma_wait3A_248 : memref<33408xf32, #tpu.memory_space<hbm>>) dst(%dma_wait3A_245 : memref<33408xf32, #tpu.memory_space<vmem>>)
    %run_scoped3A_249 = arith.constant 1 : i32
    "tpu.region"() ({
      %run_scoped3A_448 = tpu.sem_alloc : memref<!tpu.dma_semaphore, #tpu.memory_space<semaphore_mem>>
      %dma_start3A_449 = arith.constant 0 : i32
      %dma_start3A_450 = tpu.memref_slice %arg15[%run_scoped3A_249, %dma_start3A_449] : memref<2x16384xi32, #tpu.memory_space<vmem_shared>> -> memref<1x16384xi32, #tpu.memory_space<vmem_shared>>
      %dma_start3A_451 = tpu.memref_squeeze %dma_start3A_450 : memref<1x16384xi32, #tpu.memory_space<vmem_shared>> -> memref<16384xi32, #tpu.memory_space<vmem_shared>>
      %dma_start3A_452 = arith.constant 0 : i32
      %dma_start3A_453 = tpu.memref_slice %arg15[%run_scoped3A_249, %dma_start3A_452] : memref<2x16384xi32, #tpu.memory_space<vmem_shared>> -> memref<1x16384xi32, #tpu.memory_space<vmem_shared>>
      %dma_start3A_454 = tpu.memref_squeeze %dma_start3A_453 : memref<1x16384xi32, #tpu.memory_space<vmem_shared>> -> memref<16384xi32, #tpu.memory_space<vmem_shared>>
      tpu.enqueue_dma source(%dma_start3A_454 : memref<16384xi32, #tpu.memory_space<vmem_shared>>) target(%arg10 : memref<16384xi32, #tpu.memory_space<vmem>>) target_semaphore(%run_scoped3A_448 : memref<!tpu.dma_semaphore, #tpu.memory_space<semaphore_mem>>)
      %dma_wait3A_455 = arith.constant 0 : i32
      %dma_wait3A_456 = tpu.memref_slice %arg15[%run_scoped3A_249, %dma_wait3A_455] : memref<2x16384xi32, #tpu.memory_space<vmem_shared>> -> memref<1x16384xi32, #tpu.memory_space<vmem_shared>>
      %dma_wait3A_457 = tpu.memref_squeeze %dma_wait3A_456 : memref<1x16384xi32, #tpu.memory_space<vmem_shared>> -> memref<16384xi32, #tpu.memory_space<vmem_shared>>
      %dma_wait3A_458 = arith.constant 0 : i32
      %dma_wait3A_459 = tpu.memref_slice %arg15[%run_scoped3A_249, %dma_wait3A_458] : memref<2x16384xi32, #tpu.memory_space<vmem_shared>> -> memref<1x16384xi32, #tpu.memory_space<vmem_shared>>
      %dma_wait3A_460 = tpu.memref_squeeze %dma_wait3A_459 : memref<1x16384xi32, #tpu.memory_space<vmem_shared>> -> memref<16384xi32, #tpu.memory_space<vmem_shared>>
      tpu.wait_dma2 semaphore(%run_scoped3A_448 : memref<!tpu.dma_semaphore, #tpu.memory_space<semaphore_mem>>) src(%dma_wait3A_460 : memref<16384xi32, #tpu.memory_space<vmem_shared>>) dst(%arg10 : memref<16384xi32, #tpu.memory_space<vmem>>)
      tpu.yield
    }) : () -> ()
    %dma_wait3A_250 = arith.constant 0 : i32
    %dma_wait3A_251 = tpu.memref_slice %arg8[%add3A_112, %dma_wait3A_250] : memref<64x16384xf32, #tpu.memory_space<hbm>> -> memref<1x16384xf32, #tpu.memory_space<hbm>>
    %dma_wait3A_252 = tpu.memref_squeeze %dma_wait3A_251 : memref<1x16384xf32, #tpu.memory_space<hbm>> -> memref<16384xf32, #tpu.memory_space<hbm>>
    %dma_wait3A_253 = arith.constant 0 : i32
    %dma_wait3A_254 = tpu.memref_slice %arg8[%add3A_112, %dma_wait3A_253] : memref<64x16384xf32, #tpu.memory_space<hbm>> -> memref<1x16384xf32, #tpu.memory_space<hbm>>
    %dma_wait3A_255 = tpu.memref_squeeze %dma_wait3A_254 : memref<1x16384xf32, #tpu.memory_space<hbm>> -> memref<16384xf32, #tpu.memory_space<hbm>>
    tpu.wait_dma2 semaphore(%arg18 : memref<!tpu.dma_semaphore, #tpu.memory_space<semaphore_mem>>) src(%arg13 : memref<16384xf32, #tpu.memory_space<vmem>>) dst(%dma_wait3A_255 : memref<16384xf32, #tpu.memory_space<hbm>>)
    %parallel_loop3A_256 = arith.constant 0 : i32
    %parallel_loop3A_257 = arith.constant 16384 : i32
    %parallel_loop3A_258 = arith.constant 16 : i32
    scf.for %parallel_loop3A_448 = %parallel_loop3A_256 to %parallel_loop3A_257 step %parallel_loop3A_258  : i32 {
      %parallel_loop3A_449 = arith.index_cast %parallel_loop3A_448 : i32 to index
      %parallel_loop3A_450 = tpu.vector_load %arg10[%parallel_loop3A_449] {strides = array<i32>} : memref<16384xi32, #tpu.memory_space<vmem>>, vector<16xi32>,
      %parallel_loop3A_451 = arith.constant 0 : i32
      %parallel_loop3A_452 = vector.broadcast %parallel_loop3A_451 : i32 to vector<16xi32>
      %parallel_loop3A_453 = arith.subi %parallel_loop3A_450, %parallel_loop3A_452 : vector<16xi32>
      %parallel_loop3A_454 = vector.bitcast %parallel_loop3A_453 : vector<16xi32> to vector<16xi32>
      %parallel_loop3A_455 = arith.constant 33408 : i32
      %parallel_loop3A_456 = vector.broadcast %parallel_loop3A_455 : i32 to vector<16xi32>
      %parallel_loop3A_457 = arith.cmpi ult, %parallel_loop3A_454, %parallel_loop3A_456 : vector<16xi32>
      %parallel_loop3A_458 = tpu.vector_load_idx %arg11[%parallel_loop3A_453] masked %parallel_loop3A_457 : memref<33408xf32, #tpu.memory_space<vmem>>[vector<16xi32>], vector<16xf32>, vector<16xi1>
      %parallel_loop3A_459 = arith.constant 0.000000e+00 : f32
      %parallel_loop3A_460 = vector.broadcast %parallel_loop3A_459 : f32 to vector<16xf32>
      %parallel_loop3A_461 = arith.select %parallel_loop3A_457, %parallel_loop3A_458, %parallel_loop3A_460 : vector<16xi1>, vector<16xf32>
      %parallel_loop3A_462 = arith.index_cast %parallel_loop3A_448 : i32 to index
      %parallel_loop3A_463 = tpu.vector_load %arg13[%parallel_loop3A_462] {strides = array<i32>} : memref<16384xf32, #tpu.memory_space<vmem>>, vector<16xf32>,
      tpu.vector_store %arg13[%parallel_loop3A_462], %parallel_loop3A_461 {strides = array<i32>} : memref<16384xf32, #tpu.memory_space<vmem>>, vector<16xf32>,
    } {sc.loop_unroll_factor = 4 : i64, sc.parallel_access}
    %mul3A_259 = arith.constant 2 : i32
    %mul3A_260 = arith.muli %add3A, %mul3A_259 : i32
    %add3A_261 = arith.constant 0 : i32
    %add3A_262 = arith.addi %mul3A_260, %add3A_261 : i32
    %dma_start3A_263 = arith.constant 0 : i32
    %dma_start3A_264 = tpu.memref_slice %arg11[%dma_start3A_263] : memref<33408xf32, #tpu.memory_space<vmem>> -> memref<33152xf32, #tpu.memory_space<vmem>>
    %dma_start3A_265 = arith.constant 66816 : i32
    %dma_start3A_266 = tpu.memref_slice %arg3[%add3A_262, %dma_start3A_265] : memref<64x100000xf32, #tpu.memory_space<hbm>> -> memref<1x33152xf32, #tpu.memory_space<hbm>>
    %dma_start3A_267 = tpu.memref_squeeze %dma_start3A_266 : memref<1x33152xf32, #tpu.memory_space<hbm>> -> memref<33152xf32, #tpu.memory_space<hbm>>
    %dma_start3A_268 = arith.constant 0 : i32
    %dma_start3A_269 = tpu.memref_slice %arg11[%dma_start3A_268] : memref<33408xf32, #tpu.memory_space<vmem>> -> memref<33152xf32, #tpu.memory_space<vmem>>
    %dma_start3A_270 = arith.constant 66816 : i32
    %dma_start3A_271 = tpu.memref_slice %arg3[%add3A_262, %dma_start3A_270] : memref<64x100000xf32, #tpu.memory_space<hbm>> -> memref<1x33152xf32, #tpu.memory_space<hbm>>
    %dma_start3A_272 = tpu.memref_squeeze %dma_start3A_271 : memref<1x33152xf32, #tpu.memory_space<hbm>> -> memref<33152xf32, #tpu.memory_space<hbm>>
    tpu.enqueue_dma source(%dma_start3A_272 : memref<33152xf32, #tpu.memory_space<hbm>>) target(%dma_start3A_269 : memref<33152xf32, #tpu.memory_space<vmem>>) target_semaphore(%arg16 : memref<!tpu.dma_semaphore, #tpu.memory_space<semaphore_mem>>)
    %mul3A_273 = arith.constant 128 : i32
    %mul3A_274 = arith.muli %add3A_262, %mul3A_273 : i32
    %multiple_of3A_275 = tpu.assume_multiple %mul3A_274, 128 : i32
    %dma_start3A_276 = arith.constant 33056 : i32
    %dma_start3A_277 = tpu.memref_slice %arg11[%dma_start3A_276] : memref<33408xf32, #tpu.memory_space<vmem>> -> memref<128xf32, #tpu.memory_space<vmem>>
    %dma_start3A_278 = tpu.memref_slice %arg5[%multiple_of3A_275] : memref<8192xf32, #tpu.memory_space<hbm>> -> memref<128xf32, #tpu.memory_space<hbm>>
    %dma_start3A_279 = arith.constant 33056 : i32
    %dma_start3A_280 = tpu.memref_slice %arg11[%dma_start3A_279] : memref<33408xf32, #tpu.memory_space<vmem>> -> memref<128xf32, #tpu.memory_space<vmem>>
    %dma_start3A_281 = tpu.memref_slice %arg5[%multiple_of3A_275] : memref<8192xf32, #tpu.memory_space<hbm>> -> memref<128xf32, #tpu.memory_space<hbm>>
    tpu.enqueue_dma source(%dma_start3A_281 : memref<128xf32, #tpu.memory_space<hbm>>) target(%dma_start3A_280 : memref<128xf32, #tpu.memory_space<vmem>>) target_semaphore(%arg16 : memref<!tpu.dma_semaphore, #tpu.memory_space<semaphore_mem>>)
    %dma_wait3A_282 = arith.constant 0 : i32
    %dma_wait3A_283 = tpu.memref_slice %arg12[%dma_wait3A_282] : memref<33408xf32, #tpu.memory_space<vmem>> -> memref<33408xf32, #tpu.memory_space<vmem>>
    %dma_wait3A_284 = arith.constant 33408 : i32
    %dma_wait3A_285 = tpu.memref_slice %arg3[%add3A_228, %dma_wait3A_284] : memref<64x100000xf32, #tpu.memory_space<hbm>> -> memref<1x33408xf32, #tpu.memory_space<hbm>>
    %dma_wait3A_286 = tpu.memref_squeeze %dma_wait3A_285 : memref<1x33408xf32, #tpu.memory_space<hbm>> -> memref<33408xf32, #tpu.memory_space<hbm>>
    %dma_wait3A_287 = arith.constant 0 : i32
    %dma_wait3A_288 = tpu.memref_slice %arg12[%dma_wait3A_287] : memref<33408xf32, #tpu.memory_space<vmem>> -> memref<33408xf32, #tpu.memory_space<vmem>>
    %dma_wait3A_289 = arith.constant 33408 : i32
    %dma_wait3A_290 = tpu.memref_slice %arg3[%add3A_228, %dma_wait3A_289] : memref<64x100000xf32, #tpu.memory_space<hbm>> -> memref<1x33408xf32, #tpu.memory_space<hbm>>
    %dma_wait3A_291 = tpu.memref_squeeze %dma_wait3A_290 : memref<1x33408xf32, #tpu.memory_space<hbm>> -> memref<33408xf32, #tpu.memory_space<hbm>>
    tpu.wait_dma2 semaphore(%arg17 : memref<!tpu.dma_semaphore, #tpu.memory_space<semaphore_mem>>) src(%dma_wait3A_291 : memref<33408xf32, #tpu.memory_space<hbm>>) dst(%dma_wait3A_288 : memref<33408xf32, #tpu.memory_space<vmem>>)
    %parallel_loop3A_292 = arith.constant 0 : i32
    %parallel_loop3A_293 = arith.constant 16384 : i32
    %parallel_loop3A_294 = arith.constant 16 : i32
    scf.for %parallel_loop3A_448 = %parallel_loop3A_292 to %parallel_loop3A_293 step %parallel_loop3A_294  : i32 {
      %parallel_loop3A_449 = arith.index_cast %parallel_loop3A_448 : i32 to index
      %parallel_loop3A_450 = tpu.vector_load %arg10[%parallel_loop3A_449] {strides = array<i32>} : memref<16384xi32, #tpu.memory_space<vmem>>, vector<16xi32>,
      %parallel_loop3A_451 = arith.constant 33408 : i32
      %parallel_loop3A_452 = vector.broadcast %parallel_loop3A_451 : i32 to vector<16xi32>
      %parallel_loop3A_453 = arith.subi %parallel_loop3A_450, %parallel_loop3A_452 : vector<16xi32>
      %parallel_loop3A_454 = vector.bitcast %parallel_loop3A_453 : vector<16xi32> to vector<16xi32>
      %parallel_loop3A_455 = arith.constant 33408 : i32
      %parallel_loop3A_456 = vector.broadcast %parallel_loop3A_455 : i32 to vector<16xi32>
      %parallel_loop3A_457 = arith.cmpi ult, %parallel_loop3A_454, %parallel_loop3A_456 : vector<16xi32>
      %parallel_loop3A_458 = tpu.vector_load_idx %arg12[%parallel_loop3A_453] masked %parallel_loop3A_457 : memref<33408xf32, #tpu.memory_space<vmem>>[vector<16xi32>], vector<16xf32>, vector<16xi1>
      %parallel_loop3A_459 = arith.constant 0.000000e+00 : f32
      %parallel_loop3A_460 = vector.broadcast %parallel_loop3A_459 : f32 to vector<16xf32>
      %parallel_loop3A_461 = arith.select %parallel_loop3A_457, %parallel_loop3A_458, %parallel_loop3A_460 : vector<16xi1>, vector<16xf32>
      %parallel_loop3A_462 = arith.index_cast %parallel_loop3A_448 : i32 to index
      %parallel_loop3A_463 = tpu.vector_load %arg13[%parallel_loop3A_462] {strides = array<i32>} : memref<16384xf32, #tpu.memory_space<vmem>>, vector<16xf32>,
      tpu.vector_store %arg13[%parallel_loop3A_462], %parallel_loop3A_461 {add = true, strides = array<i32>} : memref<16384xf32, #tpu.memory_space<vmem>>, vector<16xf32>,
    } {sc.loop_unroll_factor = 4 : i64, sc.parallel_access}
    %mul3A_295 = arith.constant 2 : i32
    %mul3A_296 = arith.muli %add3A, %mul3A_295 : i32
    %add3A_297 = arith.constant 1 : i32
    %add3A_298 = arith.addi %mul3A_296, %add3A_297 : i32
    %dma_start3A_299 = arith.constant 0 : i32
    %dma_start3A_300 = tpu.memref_slice %arg12[%dma_start3A_299] : memref<33408xf32, #tpu.memory_space<vmem>> -> memref<33408xf32, #tpu.memory_space<vmem>>
    %dma_start3A_301 = arith.constant 0 : i32
    %dma_start3A_302 = tpu.memref_slice %arg3[%add3A_298, %dma_start3A_301] : memref<64x100000xf32, #tpu.memory_space<hbm>> -> memref<1x33408xf32, #tpu.memory_space<hbm>>
    %dma_start3A_303 = tpu.memref_squeeze %dma_start3A_302 : memref<1x33408xf32, #tpu.memory_space<hbm>> -> memref<33408xf32, #tpu.memory_space<hbm>>
    %dma_start3A_304 = arith.constant 0 : i32
    %dma_start3A_305 = tpu.memref_slice %arg12[%dma_start3A_304] : memref<33408xf32, #tpu.memory_space<vmem>> -> memref<33408xf32, #tpu.memory_space<vmem>>
    %dma_start3A_306 = arith.constant 0 : i32
    %dma_start3A_307 = tpu.memref_slice %arg3[%add3A_298, %dma_start3A_306] : memref<64x100000xf32, #tpu.memory_space<hbm>> -> memref<1x33408xf32, #tpu.memory_space<hbm>>
    %dma_start3A_308 = tpu.memref_squeeze %dma_start3A_307 : memref<1x33408xf32, #tpu.memory_space<hbm>> -> memref<33408xf32, #tpu.memory_space<hbm>>
    tpu.enqueue_dma source(%dma_start3A_308 : memref<33408xf32, #tpu.memory_space<hbm>>) target(%dma_start3A_305 : memref<33408xf32, #tpu.memory_space<vmem>>) target_semaphore(%arg17 : memref<!tpu.dma_semaphore, #tpu.memory_space<semaphore_mem>>)
    %dma_wait3A_309 = arith.constant 0 : i32
    %dma_wait3A_310 = tpu.memref_slice %arg11[%dma_wait3A_309] : memref<33408xf32, #tpu.memory_space<vmem>> -> memref<33152xf32, #tpu.memory_space<vmem>>
    %dma_wait3A_311 = arith.constant 66816 : i32
    %dma_wait3A_312 = tpu.memref_slice %arg3[%add3A_262, %dma_wait3A_311] : memref<64x100000xf32, #tpu.memory_space<hbm>> -> memref<1x33152xf32, #tpu.memory_space<hbm>>
    %dma_wait3A_313 = tpu.memref_squeeze %dma_wait3A_312 : memref<1x33152xf32, #tpu.memory_space<hbm>> -> memref<33152xf32, #tpu.memory_space<hbm>>
    %dma_wait3A_314 = arith.constant 0 : i32
    %dma_wait3A_315 = tpu.memref_slice %arg11[%dma_wait3A_314] : memref<33408xf32, #tpu.memory_space<vmem>> -> memref<33152xf32, #tpu.memory_space<vmem>>
    %dma_wait3A_316 = arith.constant 66816 : i32
    %dma_wait3A_317 = tpu.memref_slice %arg3[%add3A_262, %dma_wait3A_316] : memref<64x100000xf32, #tpu.memory_space<hbm>> -> memref<1x33152xf32, #tpu.memory_space<hbm>>
    %dma_wait3A_318 = tpu.memref_squeeze %dma_wait3A_317 : memref<1x33152xf32, #tpu.memory_space<hbm>> -> memref<33152xf32, #tpu.memory_space<hbm>>
    tpu.wait_dma2 semaphore(%arg16 : memref<!tpu.dma_semaphore, #tpu.memory_space<semaphore_mem>>) src(%dma_wait3A_318 : memref<33152xf32, #tpu.memory_space<hbm>>) dst(%dma_wait3A_315 : memref<33152xf32, #tpu.memory_space<vmem>>)
    %dma_wait3A_319 = arith.constant 33056 : i32
    %dma_wait3A_320 = tpu.memref_slice %arg11[%dma_wait3A_319] : memref<33408xf32, #tpu.memory_space<vmem>> -> memref<128xf32, #tpu.memory_space<vmem>>
    %dma_wait3A_321 = tpu.memref_slice %arg5[%multiple_of3A_275] : memref<8192xf32, #tpu.memory_space<hbm>> -> memref<128xf32, #tpu.memory_space<hbm>>
    %dma_wait3A_322 = arith.constant 33056 : i32
    %dma_wait3A_323 = tpu.memref_slice %arg11[%dma_wait3A_322] : memref<33408xf32, #tpu.memory_space<vmem>> -> memref<128xf32, #tpu.memory_space<vmem>>
    %dma_wait3A_324 = tpu.memref_slice %arg5[%multiple_of3A_275] : memref<8192xf32, #tpu.memory_space<hbm>> -> memref<128xf32, #tpu.memory_space<hbm>>
    tpu.wait_dma2 semaphore(%arg16 : memref<!tpu.dma_semaphore, #tpu.memory_space<semaphore_mem>>) src(%dma_wait3A_324 : memref<128xf32, #tpu.memory_space<hbm>>) dst(%dma_wait3A_323 : memref<128xf32, #tpu.memory_space<vmem>>)
    %parallel_loop3A_325 = arith.constant 0 : i32
    %parallel_loop3A_326 = arith.constant 16384 : i32
    %parallel_loop3A_327 = arith.constant 16 : i32
    scf.for %parallel_loop3A_448 = %parallel_loop3A_325 to %parallel_loop3A_326 step %parallel_loop3A_327  : i32 {
      %parallel_loop3A_449 = arith.index_cast %parallel_loop3A_448 : i32 to index
      %parallel_loop3A_450 = tpu.vector_load %arg10[%parallel_loop3A_449] {strides = array<i32>} : memref<16384xi32, #tpu.memory_space<vmem>>, vector<16xi32>,
      %parallel_loop3A_451 = arith.constant 66816 : i32
      %parallel_loop3A_452 = vector.broadcast %parallel_loop3A_451 : i32 to vector<16xi32>
      %parallel_loop3A_453 = arith.subi %parallel_loop3A_450, %parallel_loop3A_452 : vector<16xi32>
      %parallel_loop3A_454 = vector.bitcast %parallel_loop3A_453 : vector<16xi32> to vector<16xi32>
      %parallel_loop3A_455 = arith.constant 33184 : i32
      %parallel_loop3A_456 = vector.broadcast %parallel_loop3A_455 : i32 to vector<16xi32>
      %parallel_loop3A_457 = arith.cmpi ult, %parallel_loop3A_454, %parallel_loop3A_456 : vector<16xi32>
      %parallel_loop3A_458 = tpu.vector_load_idx %arg11[%parallel_loop3A_453] masked %parallel_loop3A_457 : memref<33408xf32, #tpu.memory_space<vmem>>[vector<16xi32>], vector<16xf32>, vector<16xi1>
      %parallel_loop3A_459 = arith.constant 0.000000e+00 : f32
      %parallel_loop3A_460 = vector.broadcast %parallel_loop3A_459 : f32 to vector<16xf32>
      %parallel_loop3A_461 = arith.select %parallel_loop3A_457, %parallel_loop3A_458, %parallel_loop3A_460 : vector<16xi1>, vector<16xf32>
      %parallel_loop3A_462 = arith.index_cast %parallel_loop3A_448 : i32 to index
      %parallel_loop3A_463 = tpu.vector_load %arg13[%parallel_loop3A_462] {strides = array<i32>} : memref<16384xf32, #tpu.memory_space<vmem>>, vector<16xf32>,
      tpu.vector_store %arg13[%parallel_loop3A_462], %parallel_loop3A_461 {add = true, strides = array<i32>} : memref<16384xf32, #tpu.memory_space<vmem>>, vector<16xf32>,
    } {sc.loop_unroll_factor = 4 : i64, sc.parallel_access}
    %mul3A_328 = arith.constant 2 : i32
    %mul3A_329 = arith.muli %add3A, %mul3A_328 : i32
    %add3A_330 = arith.constant 0 : i32
    %add3A_331 = arith.addi %mul3A_329, %add3A_330 : i32
    %dma_start3A_332 = arith.constant 0 : i32
    %dma_start3A_333 = tpu.memref_slice %arg9[%add3A_331, %dma_start3A_332] : memref<64x16384xf32, #tpu.memory_space<hbm>> -> memref<1x16384xf32, #tpu.memory_space<hbm>>
    %dma_start3A_334 = tpu.memref_squeeze %dma_start3A_333 : memref<1x16384xf32, #tpu.memory_space<hbm>> -> memref<16384xf32, #tpu.memory_space<hbm>>
    %dma_start3A_335 = arith.constant 0 : i32
    %dma_start3A_336 = tpu.memref_slice %arg9[%add3A_331, %dma_start3A_335] : memref<64x16384xf32, #tpu.memory_space<hbm>> -> memref<1x16384xf32, #tpu.memory_space<hbm>>
    %dma_start3A_337 = tpu.memref_squeeze %dma_start3A_336 : memref<1x16384xf32, #tpu.memory_space<hbm>> -> memref<16384xf32, #tpu.memory_space<hbm>>
    tpu.enqueue_dma source(%arg13 : memref<16384xf32, #tpu.memory_space<vmem>>) target(%dma_start3A_337 : memref<16384xf32, #tpu.memory_space<hbm>>) target_semaphore(%arg18 : memref<!tpu.dma_semaphore, #tpu.memory_space<semaphore_mem>>)
    %mul3A_338 = arith.constant 2 : i32
    %mul3A_339 = arith.muli %add3A, %mul3A_338 : i32
    %add3A_340 = arith.constant 1 : i32
    %add3A_341 = arith.addi %mul3A_339, %add3A_340 : i32
    %dma_start3A_342 = arith.constant 0 : i32
    %dma_start3A_343 = tpu.memref_slice %arg11[%dma_start3A_342] : memref<33408xf32, #tpu.memory_space<vmem>> -> memref<33408xf32, #tpu.memory_space<vmem>>
    %dma_start3A_344 = arith.constant 33408 : i32
    %dma_start3A_345 = tpu.memref_slice %arg3[%add3A_341, %dma_start3A_344] : memref<64x100000xf32, #tpu.memory_space<hbm>> -> memref<1x33408xf32, #tpu.memory_space<hbm>>
    %dma_start3A_346 = tpu.memref_squeeze %dma_start3A_345 : memref<1x33408xf32, #tpu.memory_space<hbm>> -> memref<33408xf32, #tpu.memory_space<hbm>>
    %dma_start3A_347 = arith.constant 0 : i32
    %dma_start3A_348 = tpu.memref_slice %arg11[%dma_start3A_347] : memref<33408xf32, #tpu.memory_space<vmem>> -> memref<33408xf32, #tpu.memory_space<vmem>>
    %dma_start3A_349 = arith.constant 33408 : i32
    %dma_start3A_350 = tpu.memref_slice %arg3[%add3A_341, %dma_start3A_349] : memref<64x100000xf32, #tpu.memory_space<hbm>> -> memref<1x33408xf32, #tpu.memory_space<hbm>>
    %dma_start3A_351 = tpu.memref_squeeze %dma_start3A_350 : memref<1x33408xf32, #tpu.memory_space<hbm>> -> memref<33408xf32, #tpu.memory_space<hbm>>
    tpu.enqueue_dma source(%dma_start3A_351 : memref<33408xf32, #tpu.memory_space<hbm>>) target(%dma_start3A_348 : memref<33408xf32, #tpu.memory_space<vmem>>) target_semaphore(%arg16 : memref<!tpu.dma_semaphore, #tpu.memory_space<semaphore_mem>>)
    %dma_wait3A_352 = arith.constant 0 : i32
    %dma_wait3A_353 = tpu.memref_slice %arg12[%dma_wait3A_352] : memref<33408xf32, #tpu.memory_space<vmem>> -> memref<33408xf32, #tpu.memory_space<vmem>>
    %dma_wait3A_354 = arith.constant 0 : i32
    %dma_wait3A_355 = tpu.memref_slice %arg3[%add3A_298, %dma_wait3A_354] : memref<64x100000xf32, #tpu.memory_space<hbm>> -> memref<1x33408xf32, #tpu.memory_space<hbm>>
    %dma_wait3A_356 = tpu.memref_squeeze %dma_wait3A_355 : memref<1x33408xf32, #tpu.memory_space<hbm>> -> memref<33408xf32, #tpu.memory_space<hbm>>
    %dma_wait3A_357 = arith.constant 0 : i32
    %dma_wait3A_358 = tpu.memref_slice %arg12[%dma_wait3A_357] : memref<33408xf32, #tpu.memory_space<vmem>> -> memref<33408xf32, #tpu.memory_space<vmem>>
    %dma_wait3A_359 = arith.constant 0 : i32
    %dma_wait3A_360 = tpu.memref_slice %arg3[%add3A_298, %dma_wait3A_359] : memref<64x100000xf32, #tpu.memory_space<hbm>> -> memref<1x33408xf32, #tpu.memory_space<hbm>>
    %dma_wait3A_361 = tpu.memref_squeeze %dma_wait3A_360 : memref<1x33408xf32, #tpu.memory_space<hbm>> -> memref<33408xf32, #tpu.memory_space<hbm>>
    tpu.wait_dma2 semaphore(%arg17 : memref<!tpu.dma_semaphore, #tpu.memory_space<semaphore_mem>>) src(%dma_wait3A_361 : memref<33408xf32, #tpu.memory_space<hbm>>) dst(%dma_wait3A_358 : memref<33408xf32, #tpu.memory_space<vmem>>)
    %dma_wait3A_362 = arith.constant 0 : i32
    %dma_wait3A_363 = tpu.memref_slice %arg8[%add3A_218, %dma_wait3A_362] : memref<64x16384xf32, #tpu.memory_space<hbm>> -> memref<1x16384xf32, #tpu.memory_space<hbm>>
    %dma_wait3A_364 = tpu.memref_squeeze %dma_wait3A_363 : memref<1x16384xf32, #tpu.memory_space<hbm>> -> memref<16384xf32, #tpu.memory_space<hbm>>
    %dma_wait3A_365 = arith.constant 0 : i32
    %dma_wait3A_366 = tpu.memref_slice %arg8[%add3A_218, %dma_wait3A_365] : memref<64x16384xf32, #tpu.memory_space<hbm>> -> memref<1x16384xf32, #tpu.memory_space<hbm>>
    %dma_wait3A_367 = tpu.memref_squeeze %dma_wait3A_366 : memref<1x16384xf32, #tpu.memory_space<hbm>> -> memref<16384xf32, #tpu.memory_space<hbm>>
    tpu.wait_dma2 semaphore(%arg19 : memref<!tpu.dma_semaphore, #tpu.memory_space<semaphore_mem>>) src(%arg14 : memref<16384xf32, #tpu.memory_space<vmem>>) dst(%dma_wait3A_367 : memref<16384xf32, #tpu.memory_space<hbm>>)
    %parallel_loop3A_368 = arith.constant 0 : i32
    %parallel_loop3A_369 = arith.constant 16384 : i32
    %parallel_loop3A_370 = arith.constant 16 : i32
    scf.for %parallel_loop3A_448 = %parallel_loop3A_368 to %parallel_loop3A_369 step %parallel_loop3A_370  : i32 {
      %parallel_loop3A_449 = arith.index_cast %parallel_loop3A_448 : i32 to index
      %parallel_loop3A_450 = tpu.vector_load %arg10[%parallel_loop3A_449] {strides = array<i32>} : memref<16384xi32, #tpu.memory_space<vmem>>, vector<16xi32>,
      %parallel_loop3A_451 = arith.constant 0 : i32
      %parallel_loop3A_452 = vector.broadcast %parallel_loop3A_451 : i32 to vector<16xi32>
      %parallel_loop3A_453 = arith.subi %parallel_loop3A_450, %parallel_loop3A_452 : vector<16xi32>
      %parallel_loop3A_454 = vector.bitcast %parallel_loop3A_453 : vector<16xi32> to vector<16xi32>
      %parallel_loop3A_455 = arith.constant 33408 : i32
      %parallel_loop3A_456 = vector.broadcast %parallel_loop3A_455 : i32 to vector<16xi32>
      %parallel_loop3A_457 = arith.cmpi ult, %parallel_loop3A_454, %parallel_loop3A_456 : vector<16xi32>
      %parallel_loop3A_458 = tpu.vector_load_idx %arg12[%parallel_loop3A_453] masked %parallel_loop3A_457 : memref<33408xf32, #tpu.memory_space<vmem>>[vector<16xi32>], vector<16xf32>, vector<16xi1>
      %parallel_loop3A_459 = arith.constant 0.000000e+00 : f32
      %parallel_loop3A_460 = vector.broadcast %parallel_loop3A_459 : f32 to vector<16xf32>
      %parallel_loop3A_461 = arith.select %parallel_loop3A_457, %parallel_loop3A_458, %parallel_loop3A_460 : vector<16xi1>, vector<16xf32>
      %parallel_loop3A_462 = arith.index_cast %parallel_loop3A_448 : i32 to index
      %parallel_loop3A_463 = tpu.vector_load %arg14[%parallel_loop3A_462] {strides = array<i32>} : memref<16384xf32, #tpu.memory_space<vmem>>, vector<16xf32>,
      tpu.vector_store %arg14[%parallel_loop3A_462], %parallel_loop3A_461 {strides = array<i32>} : memref<16384xf32, #tpu.memory_space<vmem>>, vector<16xf32>,
    } {sc.loop_unroll_factor = 4 : i64, sc.parallel_access}
    %mul3A_371 = arith.constant 2 : i32
    %mul3A_372 = arith.muli %add3A, %mul3A_371 : i32
    %add3A_373 = arith.constant 1 : i32
    %add3A_374 = arith.addi %mul3A_372, %add3A_373 : i32
    %dma_start3A_375 = arith.constant 0 : i32
    %dma_start3A_376 = tpu.memref_slice %arg12[%dma_start3A_375] : memref<33408xf32, #tpu.memory_space<vmem>> -> memref<33152xf32, #tpu.memory_space<vmem>>
    %dma_start3A_377 = arith.constant 66816 : i32
    %dma_start3A_378 = tpu.memref_slice %arg3[%add3A_374, %dma_start3A_377] : memref<64x100000xf32, #tpu.memory_space<hbm>> -> memref<1x33152xf32, #tpu.memory_space<hbm>>
    %dma_start3A_379 = tpu.memref_squeeze %dma_start3A_378 : memref<1x33152xf32, #tpu.memory_space<hbm>> -> memref<33152xf32, #tpu.memory_space<hbm>>
    %dma_start3A_380 = arith.constant 0 : i32
    %dma_start3A_381 = tpu.memref_slice %arg12[%dma_start3A_380] : memref<33408xf32, #tpu.memory_space<vmem>> -> memref<33152xf32, #tpu.memory_space<vmem>>
    %dma_start3A_382 = arith.constant 66816 : i32
    %dma_start3A_383 = tpu.memref_slice %arg3[%add3A_374, %dma_start3A_382] : memref<64x100000xf32, #tpu.memory_space<hbm>> -> memref<1x33152xf32, #tpu.memory_space<hbm>>
    %dma_start3A_384 = tpu.memref_squeeze %dma_start3A_383 : memref<1x33152xf32, #tpu.memory_space<hbm>> -> memref<33152xf32, #tpu.memory_space<hbm>>
    tpu.enqueue_dma source(%dma_start3A_384 : memref<33152xf32, #tpu.memory_space<hbm>>) target(%dma_start3A_381 : memref<33152xf32, #tpu.memory_space<vmem>>) target_semaphore(%arg17 : memref<!tpu.dma_semaphore, #tpu.memory_space<semaphore_mem>>)
    %mul3A_385 = arith.constant 128 : i32
    %mul3A_386 = arith.muli %add3A_374, %mul3A_385 : i32
    %multiple_of3A_387 = tpu.assume_multiple %mul3A_386, 128 : i32
    %dma_start3A_388 = arith.constant 33056 : i32
    %dma_start3A_389 = tpu.memref_slice %arg12[%dma_start3A_388] : memref<33408xf32, #tpu.memory_space<vmem>> -> memref<128xf32, #tpu.memory_space<vmem>>
    %dma_start3A_390 = tpu.memref_slice %arg5[%multiple_of3A_387] : memref<8192xf32, #tpu.memory_space<hbm>> -> memref<128xf32, #tpu.memory_space<hbm>>
    %dma_start3A_391 = arith.constant 33056 : i32
    %dma_start3A_392 = tpu.memref_slice %arg12[%dma_start3A_391] : memref<33408xf32, #tpu.memory_space<vmem>> -> memref<128xf32, #tpu.memory_space<vmem>>
    %dma_start3A_393 = tpu.memref_slice %arg5[%multiple_of3A_387] : memref<8192xf32, #tpu.memory_space<hbm>> -> memref<128xf32, #tpu.memory_space<hbm>>
    tpu.enqueue_dma source(%dma_start3A_393 : memref<128xf32, #tpu.memory_space<hbm>>) target(%dma_start3A_392 : memref<128xf32, #tpu.memory_space<vmem>>) target_semaphore(%arg17 : memref<!tpu.dma_semaphore, #tpu.memory_space<semaphore_mem>>)
    %dma_wait3A_394 = arith.constant 0 : i32
    %dma_wait3A_395 = tpu.memref_slice %arg11[%dma_wait3A_394] : memref<33408xf32, #tpu.memory_space<vmem>> -> memref<33408xf32, #tpu.memory_space<vmem>>
    %dma_wait3A_396 = arith.constant 33408 : i32
    %dma_wait3A_397 = tpu.memref_slice %arg3[%add3A_341, %dma_wait3A_396] : memref<64x100000xf32, #tpu.memory_space<hbm>> -> memref<1x33408xf32, #tpu.memory_space<hbm>>
    %dma_wait3A_398 = tpu.memref_squeeze %dma_wait3A_397 : memref<1x33408xf32, #tpu.memory_space<hbm>> -> memref<33408xf32, #tpu.memory_space<hbm>>
    %dma_wait3A_399 = arith.constant 0 : i32
    %dma_wait3A_400 = tpu.memref_slice %arg11[%dma_wait3A_399] : memref<33408xf32, #tpu.memory_space<vmem>> -> memref<33408xf32, #tpu.memory_space<vmem>>
    %dma_wait3A_401 = arith.constant 33408 : i32
    %dma_wait3A_402 = tpu.memref_slice %arg3[%add3A_341, %dma_wait3A_401] : memref<64x100000xf32, #tpu.memory_space<hbm>> -> memref<1x33408xf32, #tpu.memory_space<hbm>>
    %dma_wait3A_403 = tpu.memref_squeeze %dma_wait3A_402 : memref<1x33408xf32, #tpu.memory_space<hbm>> -> memref<33408xf32, #tpu.memory_space<hbm>>
    tpu.wait_dma2 semaphore(%arg16 : memref<!tpu.dma_semaphore, #tpu.memory_space<semaphore_mem>>) src(%dma_wait3A_403 : memref<33408xf32, #tpu.memory_space<hbm>>) dst(%dma_wait3A_400 : memref<33408xf32, #tpu.memory_space<vmem>>)
    %parallel_loop3A_404 = arith.constant 0 : i32
    %parallel_loop3A_405 = arith.constant 16384 : i32
    %parallel_loop3A_406 = arith.constant 16 : i32
    scf.for %parallel_loop3A_448 = %parallel_loop3A_404 to %parallel_loop3A_405 step %parallel_loop3A_406  : i32 {
      %parallel_loop3A_449 = arith.index_cast %parallel_loop3A_448 : i32 to index
      %parallel_loop3A_450 = tpu.vector_load %arg10[%parallel_loop3A_449] {strides = array<i32>} : memref<16384xi32, #tpu.memory_space<vmem>>, vector<16xi32>,
      %parallel_loop3A_451 = arith.constant 33408 : i32
      %parallel_loop3A_452 = vector.broadcast %parallel_loop3A_451 : i32 to vector<16xi32>
      %parallel_loop3A_453 = arith.subi %parallel_loop3A_450, %parallel_loop3A_452 : vector<16xi32>
      %parallel_loop3A_454 = vector.bitcast %parallel_loop3A_453 : vector<16xi32> to vector<16xi32>
      %parallel_loop3A_455 = arith.constant 33408 : i32
      %parallel_loop3A_456 = vector.broadcast %parallel_loop3A_455 : i32 to vector<16xi32>
      %parallel_loop3A_457 = arith.cmpi ult, %parallel_loop3A_454, %parallel_loop3A_456 : vector<16xi32>
      %parallel_loop3A_458 = tpu.vector_load_idx %arg11[%parallel_loop3A_453] masked %parallel_loop3A_457 : memref<33408xf32, #tpu.memory_space<vmem>>[vector<16xi32>], vector<16xf32>, vector<16xi1>
      %parallel_loop3A_459 = arith.constant 0.000000e+00 : f32
      %parallel_loop3A_460 = vector.broadcast %parallel_loop3A_459 : f32 to vector<16xf32>
      %parallel_loop3A_461 = arith.select %parallel_loop3A_457, %parallel_loop3A_458, %parallel_loop3A_460 : vector<16xi1>, vector<16xf32>
      %parallel_loop3A_462 = arith.index_cast %parallel_loop3A_448 : i32 to index
      %parallel_loop3A_463 = tpu.vector_load %arg14[%parallel_loop3A_462] {strides = array<i32>} : memref<16384xf32, #tpu.memory_space<vmem>>, vector<16xf32>,
      tpu.vector_store %arg14[%parallel_loop3A_462], %parallel_loop3A_461 {add = true, strides = array<i32>} : memref<16384xf32, #tpu.memory_space<vmem>>, vector<16xf32>,
    } {sc.loop_unroll_factor = 4 : i64, sc.parallel_access}
    %dma_wait3A_407 = arith.constant 0 : i32
    %dma_wait3A_408 = tpu.memref_slice %arg12[%dma_wait3A_407] : memref<33408xf32, #tpu.memory_space<vmem>> -> memref<33152xf32, #tpu.memory_space<vmem>>
    %dma_wait3A_409 = arith.constant 66816 : i32
    %dma_wait3A_410 = tpu.memref_slice %arg3[%add3A_374, %dma_wait3A_409] : memref<64x100000xf32, #tpu.memory_space<hbm>> -> memref<1x33152xf32, #tpu.memory_space<hbm>>
    %dma_wait3A_411 = tpu.memref_squeeze %dma_wait3A_410 : memref<1x33152xf32, #tpu.memory_space<hbm>> -> memref<33152xf32, #tpu.memory_space<hbm>>
    %dma_wait3A_412 = arith.constant 0 : i32
    %dma_wait3A_413 = tpu.memref_slice %arg12[%dma_wait3A_412] : memref<33408xf32, #tpu.memory_space<vmem>> -> memref<33152xf32, #tpu.memory_space<vmem>>
    %dma_wait3A_414 = arith.constant 66816 : i32
    %dma_wait3A_415 = tpu.memref_slice %arg3[%add3A_374, %dma_wait3A_414] : memref<64x100000xf32, #tpu.memory_space<hbm>> -> memref<1x33152xf32, #tpu.memory_space<hbm>>
    %dma_wait3A_416 = tpu.memref_squeeze %dma_wait3A_415 : memref<1x33152xf32, #tpu.memory_space<hbm>> -> memref<33152xf32, #tpu.memory_space<hbm>>
    tpu.wait_dma2 semaphore(%arg17 : memref<!tpu.dma_semaphore, #tpu.memory_space<semaphore_mem>>) src(%dma_wait3A_416 : memref<33152xf32, #tpu.memory_space<hbm>>) dst(%dma_wait3A_413 : memref<33152xf32, #tpu.memory_space<vmem>>)
    %dma_wait3A_417 = arith.constant 33056 : i32
    %dma_wait3A_418 = tpu.memref_slice %arg12[%dma_wait3A_417] : memref<33408xf32, #tpu.memory_space<vmem>> -> memref<128xf32, #tpu.memory_space<vmem>>
    %dma_wait3A_419 = tpu.memref_slice %arg5[%multiple_of3A_387] : memref<8192xf32, #tpu.memory_space<hbm>> -> memref<128xf32, #tpu.memory_space<hbm>>
    %dma_wait3A_420 = arith.constant 33056 : i32
    %dma_wait3A_421 = tpu.memref_slice %arg12[%dma_wait3A_420] : memref<33408xf32, #tpu.memory_space<vmem>> -> memref<128xf32, #tpu.memory_space<vmem>>
    %dma_wait3A_422 = tpu.memref_slice %arg5[%multiple_of3A_387] : memref<8192xf32, #tpu.memory_space<hbm>> -> memref<128xf32, #tpu.memory_space<hbm>>
    tpu.wait_dma2 semaphore(%arg17 : memref<!tpu.dma_semaphore, #tpu.memory_space<semaphore_mem>>) src(%dma_wait3A_422 : memref<128xf32, #tpu.memory_space<hbm>>) dst(%dma_wait3A_421 : memref<128xf32, #tpu.memory_space<vmem>>)
    %parallel_loop3A_423 = arith.constant 0 : i32
    %parallel_loop3A_424 = arith.constant 16384 : i32
    %parallel_loop3A_425 = arith.constant 16 : i32
    scf.for %parallel_loop3A_448 = %parallel_loop3A_423 to %parallel_loop3A_424 step %parallel_loop3A_425  : i32 {
      %parallel_loop3A_449 = arith.index_cast %parallel_loop3A_448 : i32 to index
      %parallel_loop3A_450 = tpu.vector_load %arg10[%parallel_loop3A_449] {strides = array<i32>} : memref<16384xi32, #tpu.memory_space<vmem>>, vector<16xi32>,
      %parallel_loop3A_451 = arith.constant 66816 : i32
      %parallel_loop3A_452 = vector.broadcast %parallel_loop3A_451 : i32 to vector<16xi32>
      %parallel_loop3A_453 = arith.subi %parallel_loop3A_450, %parallel_loop3A_452 : vector<16xi32>
      %parallel_loop3A_454 = vector.bitcast %parallel_loop3A_453 : vector<16xi32> to vector<16xi32>
      %parallel_loop3A_455 = arith.constant 33184 : i32
      %parallel_loop3A_456 = vector.broadcast %parallel_loop3A_455 : i32 to vector<16xi32>
      %parallel_loop3A_457 = arith.cmpi ult, %parallel_loop3A_454, %parallel_loop3A_456 : vector<16xi32>
      %parallel_loop3A_458 = tpu.vector_load_idx %arg12[%parallel_loop3A_453] masked %parallel_loop3A_457 : memref<33408xf32, #tpu.memory_space<vmem>>[vector<16xi32>], vector<16xf32>, vector<16xi1>
      %parallel_loop3A_459 = arith.constant 0.000000e+00 : f32
      %parallel_loop3A_460 = vector.broadcast %parallel_loop3A_459 : f32 to vector<16xf32>
      %parallel_loop3A_461 = arith.select %parallel_loop3A_457, %parallel_loop3A_458, %parallel_loop3A_460 : vector<16xi1>, vector<16xf32>
      %parallel_loop3A_462 = arith.index_cast %parallel_loop3A_448 : i32 to index
      %parallel_loop3A_463 = tpu.vector_load %arg14[%parallel_loop3A_462] {strides = array<i32>} : memref<16384xf32, #tpu.memory_space<vmem>>, vector<16xf32>,
      tpu.vector_store %arg14[%parallel_loop3A_462], %parallel_loop3A_461 {add = true, strides = array<i32>} : memref<16384xf32, #tpu.memory_space<vmem>>, vector<16xf32>,
    } {sc.loop_unroll_factor = 4 : i64, sc.parallel_access}
    %mul3A_426 = arith.constant 2 : i32
    %mul3A_427 = arith.muli %add3A, %mul3A_426 : i32
    %add3A_428 = arith.constant 1 : i32
    %add3A_429 = arith.addi %mul3A_427, %add3A_428 : i32
    %dma_start3A_430 = arith.constant 0 : i32
    %dma_start3A_431 = tpu.memref_slice %arg9[%add3A_429, %dma_start3A_430] : memref<64x16384xf32, #tpu.memory_space<hbm>> -> memref<1x16384xf32, #tpu.memory_space<hbm>>
    %dma_start3A_432 = tpu.memref_squeeze %dma_start3A_431 : memref<1x16384xf32, #tpu.memory_space<hbm>> -> memref<16384xf32, #tpu.memory_space<hbm>>
    %dma_start3A_433 = arith.constant 0 : i32
    %dma_start3A_434 = tpu.memref_slice %arg9[%add3A_429, %dma_start3A_433] : memref<64x16384xf32, #tpu.memory_space<hbm>> -> memref<1x16384xf32, #tpu.memory_space<hbm>>
    %dma_start3A_435 = tpu.memref_squeeze %dma_start3A_434 : memref<1x16384xf32, #tpu.memory_space<hbm>> -> memref<16384xf32, #tpu.memory_space<hbm>>
    tpu.enqueue_dma source(%arg14 : memref<16384xf32, #tpu.memory_space<vmem>>) target(%dma_start3A_435 : memref<16384xf32, #tpu.memory_space<hbm>>) target_semaphore(%arg19 : memref<!tpu.dma_semaphore, #tpu.memory_space<semaphore_mem>>)
    %dma_wait3A_436 = arith.constant 0 : i32
    %dma_wait3A_437 = tpu.memref_slice %arg9[%add3A_331, %dma_wait3A_436] : memref<64x16384xf32, #tpu.memory_space<hbm>> -> memref<1x16384xf32, #tpu.memory_space<hbm>>
    %dma_wait3A_438 = tpu.memref_squeeze %dma_wait3A_437 : memref<1x16384xf32, #tpu.memory_space<hbm>> -> memref<16384xf32, #tpu.memory_space<hbm>>
    %dma_wait3A_439 = arith.constant 0 : i32
    %dma_wait3A_440 = tpu.memref_slice %arg9[%add3A_331, %dma_wait3A_439] : memref<64x16384xf32, #tpu.memory_space<hbm>> -> memref<1x16384xf32, #tpu.memory_space<hbm>>
    %dma_wait3A_441 = tpu.memref_squeeze %dma_wait3A_440 : memref<1x16384xf32, #tpu.memory_space<hbm>> -> memref<16384xf32, #tpu.memory_space<hbm>>
    tpu.wait_dma2 semaphore(%arg18 : memref<!tpu.dma_semaphore, #tpu.memory_space<semaphore_mem>>) src(%arg13 : memref<16384xf32, #tpu.memory_space<vmem>>) dst(%dma_wait3A_441 : memref<16384xf32, #tpu.memory_space<hbm>>)
    %dma_wait3A_442 = arith.constant 0 : i32
    %dma_wait3A_443 = tpu.memref_slice %arg9[%add3A_429, %dma_wait3A_442] : memref<64x16384xf32, #tpu.memory_space<hbm>> -> memref<1x16384xf32, #tpu.memory_space<hbm>>
    %dma_wait3A_444 = tpu.memref_squeeze %dma_wait3A_443 : memref<1x16384xf32, #tpu.memory_space<hbm>> -> memref<16384xf32, #tpu.memory_space<hbm>>
    %dma_wait3A_445 = arith.constant 0 : i32
    %dma_wait3A_446 = tpu.memref_slice %arg9[%add3A_429, %dma_wait3A_445] : memref<64x16384xf32, #tpu.memory_space<hbm>> -> memref<1x16384xf32, #tpu.memory_space<hbm>>
    %dma_wait3A_447 = tpu.memref_squeeze %dma_wait3A_446 : memref<1x16384xf32, #tpu.memory_space<hbm>> -> memref<16384xf32, #tpu.memory_space<hbm>>
    tpu.wait_dma2 semaphore(%arg19 : memref<!tpu.dma_semaphore, #tpu.memory_space<semaphore_mem>>) src(%arg14 : memref<16384xf32, #tpu.memory_space<vmem>>) dst(%dma_wait3A_447 : memref<16384xf32, #tpu.memory_space<hbm>>)
    return
  }
}

module attributes {stable_mosaic.version = 14 : i64} {
  func.func @_mlp_body(%arg0: i32, %arg1: memref<64x4096xf32, #tpu.memory_space<vmem>>, %arg2: memref<64x4096xf32, #tpu.memory_space<vmem>>, %arg3: memref<64x128xf32, #tpu.memory_space<vmem>>, %arg4: memref<1x64xf32, #tpu.memory_space<vmem>>, %arg5: memref<64x64xf32, #tpu.memory_space<vmem>>, %arg6: memref<1x64xf32, #tpu.memory_space<vmem>>, %arg7: memref<1x64xf32, #tpu.memory_space<vmem>>, %arg8: memref<1x1xf32, #tpu.memory_space<vmem>>, %arg9: memref<1x4096xf32, #tpu.memory_space<vmem>>) attributes {dimension_semantics = [#tpu.dimension_semantics<arbitrary>], iteration_bounds = array<i64: 4>, scalar_prefetch = 0 : i64, scratch_operands = 0 : i64, tpu.core_type = #tpu.core_type<tc>, window_params = [{transform_indices = @transform_0, window_bounds = array<i64: 64, 4096>}, {transform_indices = @transform_1, window_bounds = array<i64: 64, 4096>}, {pipeline_mode = #tpu.pipeline_mode<synchronous>, transform_indices = @transform_2, window_bounds = array<i64: 64, 128>}, {pipeline_mode = #tpu.pipeline_mode<synchronous>, transform_indices = @transform_3, window_bounds = array<i64: 1, 64>}, {pipeline_mode = #tpu.pipeline_mode<synchronous>, transform_indices = @transform_4, window_bounds = array<i64: 64, 64>}, {pipeline_mode = #tpu.pipeline_mode<synchronous>, transform_indices = @transform_5, window_bounds = array<i64: 1, 64>}, {pipeline_mode = #tpu.pipeline_mode<synchronous>, transform_indices = @transform_6, window_bounds = array<i64: 1, 64>}, {pipeline_mode = #tpu.pipeline_mode<synchronous>, transform_indices = @transform_7, window_bounds = array<i64: 1, 1>}, {transform_indices = @transform_8, window_bounds = array<i64: 1, 4096>}]} {
    %get3A = arith.constant 0 : index
    %get3A_0 = arith.constant 0 : index
    %get3A_1 = vector.load %arg3[%get3A, %get3A_0] : memref<64x128xf32, #tpu.memory_space<vmem>>, vector<64x128xf32>
    %slice3A = vector.extract_strided_slice %get3A_1 {offsets = [0, 0], sizes = [64, 64], strides = [1, 1]} : vector<64x128xf32> to vector<64x64xf32>
    %get3A_2 = arith.constant 0 : index
    %get3A_3 = arith.constant 0 : index
    %get3A_4 = vector.load %arg1[%get3A_2, %get3A_3] : memref<64x4096xf32, #tpu.memory_space<vmem>>, vector<64x4096xf32>
    %dot_general3A = arith.constant dense<0.000000e+00> : vector<64x4096xf32>
    %dot_general3A_5 = tpu.matmul %slice3A, %get3A_4, %dot_general3A {dimension_numbers = #tpu.dot_dimension_numbers<[1], [0], [0], [1], [0, 0, 1, 1], [], []>, transpose_lhs_hint = false} : vector<64x64xf32>, vector<64x4096xf32>, vector<64x4096xf32> -> vector<64x4096xf32>
    %slice3A_6 = vector.extract_strided_slice %get3A_1 {offsets = [0, 64], sizes = [64, 64], strides = [1, 1]} : vector<64x128xf32> to vector<64x64xf32>
    %get3A_7 = arith.constant 0 : index
    %get3A_8 = arith.constant 0 : index
    %get3A_9 = vector.load %arg2[%get3A_7, %get3A_8] : memref<64x4096xf32, #tpu.memory_space<vmem>>, vector<64x4096xf32>
    %dot_general3A_10 = arith.constant dense<0.000000e+00> : vector<64x4096xf32>
    %dot_general3A_11 = tpu.matmul %slice3A_6, %get3A_9, %dot_general3A_10 {dimension_numbers = #tpu.dot_dimension_numbers<[1], [0], [0], [1], [0, 0, 1, 1], [], []>, transpose_lhs_hint = false} : vector<64x64xf32>, vector<64x4096xf32>, vector<64x4096xf32> -> vector<64x4096xf32>
    %add3A = arith.addf %dot_general3A_5, %dot_general3A_11 : vector<64x4096xf32>
    %get3A_12 = arith.constant 0 : index
    %get3A_13 = arith.constant 0 : index
    %get3A_14 = vector.load %arg4[%get3A_12, %get3A_13] : memref<1x64xf32, #tpu.memory_space<vmem>>, vector<1x64xf32>
    %transpose3A = tpu.transpose %get3A_14, [1, 0] : vector<1x64xf32> -> vector<64x1xf32>
    %add3A_15 = vector.broadcast %transpose3A : vector<64x1xf32> to vector<64x4096xf32>
    %add3A_16 = arith.addf %add3A, %add3A_15 : vector<64x4096xf32>
    %max3A = arith.constant 0.000000e+00 : f32
    %max3A_17 = vector.broadcast %max3A : f32 to vector<64x4096xf32>
    %max3A_18 = arith.maximumf %add3A_16, %max3A_17 : vector<64x4096xf32>
    %get3A_19 = arith.constant 0 : index
    %get3A_20 = arith.constant 0 : index
    %get3A_21 = vector.load %arg5[%get3A_19, %get3A_20] : memref<64x64xf32, #tpu.memory_space<vmem>>, vector<64x64xf32>
    %dot_general3A_22 = arith.constant dense<0.000000e+00> : vector<64x4096xf32>
    %dot_general3A_23 = tpu.matmul %get3A_21, %max3A_18, %dot_general3A_22 {dimension_numbers = #tpu.dot_dimension_numbers<[0], [0], [1], [1], [0, 1, 1, 1], [], []>, transpose_lhs_hint = false} : vector<64x64xf32>, vector<64x4096xf32>, vector<64x4096xf32> -> vector<64x4096xf32>
    %get3A_24 = arith.constant 0 : index
    %get3A_25 = arith.constant 0 : index
    %get3A_26 = vector.load %arg6[%get3A_24, %get3A_25] : memref<1x64xf32, #tpu.memory_space<vmem>>, vector<1x64xf32>
    %transpose3A_27 = tpu.transpose %get3A_26, [1, 0] : vector<1x64xf32> -> vector<64x1xf32>
    %add3A_28 = vector.broadcast %transpose3A_27 : vector<64x1xf32> to vector<64x4096xf32>
    %add3A_29 = arith.addf %dot_general3A_23, %add3A_28 : vector<64x4096xf32>
    %max3A_30 = arith.constant 0.000000e+00 : f32
    %max3A_31 = vector.broadcast %max3A_30 : f32 to vector<64x4096xf32>
    %max3A_32 = arith.maximumf %add3A_29, %max3A_31 : vector<64x4096xf32>
    %get3A_33 = arith.constant 0 : index
    %get3A_34 = arith.constant 0 : index
    %get3A_35 = vector.load %arg7[%get3A_33, %get3A_34] : memref<1x64xf32, #tpu.memory_space<vmem>>, vector<1x64xf32>
    %dot_general3A_36 = arith.constant dense<0.000000e+00> : vector<1x4096xf32>
    %dot_general3A_37 = tpu.matmul %get3A_35, %max3A_32, %dot_general3A_36 {dimension_numbers = #tpu.dot_dimension_numbers<[1], [0], [0], [1], [0, 0, 1, 1], [], []>, transpose_lhs_hint = false} : vector<1x64xf32>, vector<64x4096xf32>, vector<1x4096xf32> -> vector<1x4096xf32>
    %get3A_38 = arith.constant 0 : index
    %get3A_39 = arith.constant 0 : index
    %get3A_40 = vector.load %arg8[%get3A_38, %get3A_39] : memref<1x1xf32, #tpu.memory_space<vmem>>, vector<1x1xf32>
    %add3A_41 = vector.broadcast %get3A_40 : vector<1x1xf32> to vector<1x4096xf32>
    %add3A_42 = arith.addf %dot_general3A_37, %add3A_41 : vector<1x4096xf32>
    %swap3A = arith.constant 0 : index
    %swap3A_43 = arith.constant 0 : index
    %swap3A_44 = vector.load %arg9[%swap3A, %swap3A_43] : memref<1x4096xf32, #tpu.memory_space<vmem>>, vector<1x4096xf32>
    tpu.vector_store %arg9[%swap3A, %swap3A_43], %add3A_42 {strides = array<i32>} : memref<1x4096xf32, #tpu.memory_space<vmem>>, vector<1x4096xf32>,
    return
  }
  func.func @transform_0(%arg0: i32) -> (i32, i32) {
    %c0_i32 = arith.constant 0 : i32
    %c0_i32_0 = arith.constant 0 : i32
    return %c0_i32, %arg0 : i32, i32
  }
  func.func @transform_1(%arg0: i32) -> (i32, i32) {
    %c0_i32 = arith.constant 0 : i32
    %c0_i32_0 = arith.constant 0 : i32
    return %c0_i32, %arg0 : i32, i32
  }
  func.func @transform_2(%arg0: i32) -> (i32, i32) {
    %c0_i32 = arith.constant 0 : i32
    %c0_i32_0 = arith.constant 0 : i32
    %c0_i32_1 = arith.constant 0 : i32
    return %c0_i32, %c0_i32_0 : i32, i32
  }
  func.func @transform_3(%arg0: i32) -> (i32, i32) {
    %c0_i32 = arith.constant 0 : i32
    %c0_i32_0 = arith.constant 0 : i32
    %c0_i32_1 = arith.constant 0 : i32
    return %c0_i32, %c0_i32_0 : i32, i32
  }
  func.func @transform_4(%arg0: i32) -> (i32, i32) {
    %c0_i32 = arith.constant 0 : i32
    %c0_i32_0 = arith.constant 0 : i32
    %c0_i32_1 = arith.constant 0 : i32
    return %c0_i32, %c0_i32_0 : i32, i32
  }
  func.func @transform_5(%arg0: i32) -> (i32, i32) {
    %c0_i32 = arith.constant 0 : i32
    %c0_i32_0 = arith.constant 0 : i32
    %c0_i32_1 = arith.constant 0 : i32
    return %c0_i32, %c0_i32_0 : i32, i32
  }
  func.func @transform_6(%arg0: i32) -> (i32, i32) {
    %c0_i32 = arith.constant 0 : i32
    %c0_i32_0 = arith.constant 0 : i32
    %c0_i32_1 = arith.constant 0 : i32
    return %c0_i32, %c0_i32_0 : i32, i32
  }
  func.func @transform_7(%arg0: i32) -> (i32, i32) {
    %c0_i32 = arith.constant 0 : i32
    %c0_i32_0 = arith.constant 0 : i32
    %c0_i32_1 = arith.constant 0 : i32
    return %c0_i32, %c0_i32_0 : i32, i32
  }
  func.func @transform_8(%arg0: i32) -> (i32, i32) {
    %c0_i32 = arith.constant 0 : i32
    %c0_i32_0 = arith.constant 0 : i32
    return %c0_i32, %arg0 : i32, i32
  }
}

</mosaic_0001>

<sc_bundles>
// kernel: kernel.4.cloned.1.call-start
scs
__scs_entry_jumppad:
0x0: {  	(pc) =	sbr.rel $0x88, $3  }
0x1: {  	(tag) =	ssettag $0x0;
	lr =	simm.s32 $0x1  }
0x2: {  	[smem:$0x3F98] =	sst lr;
	_ =	strace $0xD0000000  }
0x3: {  	_ = 	snop  }
0x4: {  	_ = 	snop  }
0x5: {  	_ = 	snop  }
0x6: {  	_ = 	snop  }
0x7: {  	_ = 	snop  }
__scs_overlays_trampoline_lowered:
0x8: {  	[smem:$0x3FA7] =	sst s0  }
0x9: {  	[smem:$0x3FA8] =	sst s1  }
0xa: {  	[smem:$0x3FA9] =	sst s2  }
0xb: {  	[smem:$0x3FAA] =	sst s3  }
0xc: {  	[smem:$0x3FAB] =	sst s4  }
0xd: {  	[smem:$0x3FAC] =	sst s5  }
0xe: {  	[smem:$0x3FAD] =	sst s6  }
0xf: {  	[smem:$0x3FAE] =	sst s7  }
0x10: {  	[smem:$0x3FAF] =	sst s8  }
0x11: {  	[smem:$0x3FB0] =	sst s9;
	s0 =	simm.s32 @!p0 $0x0  }
0x12: {  	s1 =	sld [smem:$0x3F96];
	s0 =	simm.s32 @p0 $0x1  }
0x13: {  	[smem:$0x3FB1] =	sst s0;
	s0 =	simm.s32 @!p1 $0x0  }
0x14: {  	s2 =	sld [smem:$0x3F95];
	s0 =	simm.s32 @p1 $0x1  }
0x15: {  	[smem:$0x3FB2] =	sst s0;
	s0 =	simm.s32 @!p2 $0x0  }
0x16: {  	s3 =	sld [smem:$0x3FDB];
	s0 =	simm.s32 @p2 $0x1  }
0x17: {  	s4 =	simm.s32 $0x1BF5;
	[smem:$0x3FB4] =	sst s0  }
0x18: {  	s0 =	sld [smem:$0x3F97];
	_ =	swait.ge [sflag:s4], $0x0  }
0x19: {  	s7 =	sld [smem:$0x3F98]  }
0x1a: {  	s8 =	sadd.s32 $0xFFFFE003, lr  }
0x1b: {  	s9 =	sadd.s32 $0xFFFFFEF7, lr;
	s5 =	simm.s32 $0xFFFFFFFF;
	p2 =	slt.u32 s8, $0xFFFFF086  }
0x1c: {  	p1 =	slt.u32 s9, $0xF7A;
	s5 =	simm.s32 @!p2 $0x0  }
0x1d: {  	s5 =	simm.s32 @p1 $0x1;
	p0 =	seq.s32 s7, s2  }
0x1e: {  	s7 =	smul.u32 @!p0 $0xF7A, s2;
	p2 =	seq.s32 @!p0 s5, $0x0  }
0x1f: {  	s9 =	smul.u32 $0xF7A, s1;
	s8 =	simm.s32 @!p0 $0x1BF5;
	p2 =	por !p2, p0  }
0x20: {  	[sflag:s8] =	ssyncset.s32 @!p0 $0xFFFFF086;
	s6 =	sadd.s32 @!p0 s3, s7;
	s7 =	simm.s32 @!p0 $0x108  }
0x21: {  	s3 =	sadd.s32 s3, s9;
	s6 =	sadd.s32 @!p0 $0x88, s6;
	s7 =	simm.s32 @p2 $0x1082  }
0x22: {  	[simem:s7], [sflag:s8] =	dma.local @!p0 [hbm:s6], $0xF7A  }
0x23: {  	s9 =	sor.u32 $0xD0000000, s2;
	s6 =	simm.s32 $0x108;
	_ =	swait.ge @!p0 [sflag:s8], $0x0  }
0x24: {  	s3 =	sadd.s32 $0x88, s3;
	s6 =	simm.s32 @!p1 $0x1082;
	[sflag:s4] =	ssyncset.s32 $0xFFFFF086  }
0x25: {  	[simem:s6], [sflag:s4] =	dma.local [hbm:s3], $0xF7A  }
0x26: {  	[smem:$0x3F98] =	sst s1;
	(tag) =	ssettag s2;
	_ =	strace s9  }
0x27: {  	s1 =	sld [smem:$0x3FA8]  }
0x28: {  	s2 =	sld [smem:$0x3FA9]  }
0x29: {  	s4 =	sld [smem:$0x3FAB]  }
0x2a: {  	p0 =	seq.s32 s5, $0x0;
	s5 =	sld [smem:$0x3FAC]  }
0x2b: {  	s6 =	sld [smem:$0x3FAD]  }
0x2c: {  	s7 =	sld [smem:$0x3FAE]  }
0x2d: {  	s3 =	simm.s32 $0x108;
	s8 =	sld [smem:$0x3FAF]  }
0x2e: {  	s3 =	simm.s32 @!p0 $0x1082;
	s9 =	sld [smem:$0x3FB0]  }
0x2f: {  	lr =	sadd.s32 s0, s3;
	s0 =	sld [smem:$0x3FA7]  }
0x30: {  	s3 =	sld [smem:$0x3FAA]  }
0x31: {  	[smem:$0x3FB3] =	sst s10  }
0x32: {  	s10 =	sld [smem:$0x3FB1];
	_ =	sdelay $0x3  }
0x33: {  	p0 =	seq.s32 s10, $0x1;
	s10 =	sld [smem:$0x3FB3];
	_ =	sdelay $0x3  }
0x34: {  	[smem:$0x3FB3] =	sst s10  }
0x35: {  	s10 =	sld [smem:$0x3FB2];
	_ =	sdelay $0x3  }
0x36: {  	p1 =	seq.s32 s10, $0x1;
	s10 =	sld [smem:$0x3FB3];
	_ =	sdelay $0x3  }
0x37: {  	[smem:$0x3FB3] =	sst s10  }
0x38: {  	s10 =	sld [smem:$0x3FB4]  }
0x39: {  	_ = 	snop;
	(pc) =	sbr.ind lr, $3  }
0x3a: {  	_ = 	snop  }
0x3b: {  	_ = 	snop  }
0x3c: {  	p2 =	seq.s32 s10, $0x1;
	s10 =	sld [smem:$0x3FB3]  }
0x3d: {  	_ =	shalt  }
0x3e: {  	_ =	shalt  }
0x3f: {  	_ =	shalt  }
0x40: {  	_ =	shalt  }
0x41: {  	_ =	shalt  }
0x42: {  	_ =	shalt  }
0x43: {  	_ =	shalt  }
0x44: {  	_ =	shalt  }
0x45: {  	_ =	shalt  }
0x46: {  	_ =	shalt  }
0x47: {  	_ =	shalt  }
0x48: {  	_ =	shalt  }
0x49: {  	_ =	shalt  }
0x4a: {  	_ =	shalt  }
0x4b: {  	_ =	shalt  }
0x4c: {  	_ =	shalt  }
0x4d: {  	_ =	shalt  }
0x4e: {  	_ =	shalt  }
0x4f: {  	_ =	shalt  }
0x50: {  	_ =	shalt  }
0x51: {  	_ =	shalt  }
0x52: {  	_ =	shalt  }
0x53: {  	_ =	shalt  }
0x54: {  	_ =	shalt  }
0x55: {  	_ =	shalt  }
0x56: {  	_ =	shalt  }
0x57: {  	_ =	shalt  }
0x58: {  	_ =	shalt  }
0x59: {  	_ =	shalt  }
0x5a: {  	_ =	shalt  }
0x5b: {  	_ =	shalt  }
0x5c: {  	_ =	shalt  }
0x5d: {  	_ =	shalt  }
0x5e: {  	_ =	shalt  }
0x5f: {  	_ =	shalt  }
0x60: {  	_ =	shalt  }
0x61: {  	_ =	shalt  }
0x62: {  	_ =	shalt  }
0x63: {  	_ =	shalt  }
0x64: {  	_ =	shalt  }
0x65: {  	_ =	shalt  }
0x66: {  	_ =	shalt  }
0x67: {  	_ =	shalt  }
0x68: {  	_ =	shalt  }
0x69: {  	_ =	shalt  }
0x6a: {  	_ =	shalt  }
0x6b: {  	_ =	shalt  }
0x6c: {  	_ =	shalt  }
0x6d: {  	_ =	shalt  }
0x6e: {  	_ =	shalt  }
0x6f: {  	_ =	shalt  }
0x70: {  	_ =	shalt  }
0x71: {  	_ =	shalt  }
0x72: {  	_ =	shalt  }
0x73: {  	_ =	shalt  }
0x74: {  	_ =	shalt  }
0x75: {  	_ =	shalt  }
0x76: {  	_ =	shalt  }
0x77: {  	_ =	shalt  }
0x78: {  	_ =	shalt  }
0x79: {  	_ =	shalt  }
0x7a: {  	_ =	shalt  }
0x7b: {  	_ =	shalt  }
0x7c: {  	_ =	shalt  }
0x7d: {  	_ =	shalt  }
0x7e: {  	_ =	shalt  }
0x7f: {  	_ =	shalt  }
0x80: {  	_ =	shalt  }
0x81: {  	_ =	shalt  }
0x82: {  	_ =	shalt  }
0x83: {  	_ =	shalt  }
0x84: {  	_ =	shalt  }
0x85: {  	_ =	shalt  }
0x86: {  	_ =	shalt  }
0x87: {  	_ =	shalt  }
.Lfunc_end0:
.L_simem_size_0:
called_computation_lowered:
.L_overlay_start_0:
0x88: {  	s2 =	sld [smem:$0x3FD9]  }
0x89: {  	s3 =	sld [smem:$0x3FFE];
	_ =	sdelay $0x1  }
0x8a: {  	s1 =	srdreg.scid  }
0x8b: {  	s0 =	sand.u32 $0x1, s1  }
0x8c: {  	s17 =	sshll.u32 s0, $0xA;
	s2 =	sadd.s32 s3, s2  }
0x8d: {  	s2 =	sadd.s32 s2, s17  }
0x8e: {  	[smem:$0x3FBF] =	sst s2  }
0x8f: {  	_ = 	snop  }
0x90: {  	s2 =	sld [smem:$0x3FC8]  }
0x91: {  	s18 =	sld [smem:$0x3FC7]  }
0x92: {  	s4 =	sld [smem:$0x3FD0];
	(tm) =	ssettm $0x1  }
0x93: {  	s5 =	sld [smem:$0x3FFB];
	_ =	sdelay $0x3  }
0x94: {  	_ =	strace s5  }
0x95: {  	s5 =	sld [smem:$0x3FFC];
	_ =	sdelay $0x3  }
0x96: {  	_ =	strace s5  }
0x97: {  	s5 =	sld [smem:$0x3FFD];
	_ =	sdelay $0x3  }
0x98: {  	_ =	strace s5  }
0x99: {  	_ =	strace $0x8FFFFFFF  }
0x9a: {  	s19 =	sld [smem:$0x3FDB];
	_ =	sdelay $0x1  }
0x9b: {  	s6 =	simm.s32 $_scs_section_size  }
0x9c: {  	s7 =	simm.s32 $_size__tile_overlayer_lowered;
	s8 =	simm.s32 $_tile_overlayer_lowered  }
0x9d: {  	s22 =	simm.s32 $0x1BFF;
	s21 =	sshll.u32 s8, $0x1;
	s5 =	sadd.s32 s6, s19  }
0x9e: {  	s9 =	simm.s32 $0x0;
	s20 =	sshll.u32 s7, $0x1;
	s7 =	sadd.s32 s21, s5  }
0x9f: {  	[timem:s9], [sflag:s22] =	dma.local [hbm:s7], s20  }
0xa0: {  	_ =	swait.ge [sflag:s22], s20  }
0xa1: {  	s6 =	ssub.s32 $0x0, s20;
	[sflag:s22] =	ssyncset.done $0x0  }
0xa2: {  	[sflag:s22] =	ssyncadd.s32 s6;
	_ =	sdelay $0x1  }
0xa3: {  	s23 =	simm.s32 $0x1B8B  }
0xa4: {  	_ =	swait.ge [sflag:s23], $0x1  }
0xa5: {  	[sflag:s23] =	ssyncset.done $0x0  }
0xa6: {  	s25 =	simm.s32 $0x1B8E;
	s24 =	sld [smem:$0x3FFE];
	[sflag:s23] =	ssyncadd.s32 $0xFFFFFFFF  }
0xa7: {  	s26 =	simm.s32 $execute0_lowered;
	[smem:$0x3FD2] =	sst s25  }
0xa8: {  	s7 =	sshll.u32 s26, $0x1;
	_ =	strace $0x80000046;
	[dreg:$0x1] =	wrdreg $0xFFFFFFFF  }
0xa9: {  	s28 =	simm.s32 $_size_execute0_lowered;
	s5 =	sadd.s32 s5, s7;
	[dreg:$0x0] =	wrdreg $0x0  }
0xaa: {  	s7 =	sshll.u32 s28, $0x1;
	[dreg:$0x2] =	wrdreg s5  }
0xab: {  	[dreg:$0x3] =	wrdreg s7  }
0xac: {  	[dreg:$0x4] =	wrdreg $0xC0  }
0xad: {  	_ =	task [dreg:s9], $0x5FFFF  }
0xae: {  	[dreg:$0x1] =	wrdreg $0xFFFFFFFF  }
0xaf: {  	[dreg:$0x0] =	wrdreg $0x60  }
0xb0: {  	[dreg:$0x2] =	wrdreg s2  }
0xb1: {  	[dreg:$0x3] =	wrdreg s18  }
0xb2: {  	[dreg:$0x4] =	wrdreg s24  }
0xb3: {  	[dreg:$0x5] =	wrdreg s4  }
0xb4: {  	[dreg:$0x6] =	wrdreg $0x1C5000  }
0xb5: {  	[dreg:$0x7] =	wrdreg $0x9  }
0xb6: {  	_ =	task.clear_ibuf [dreg:s9], $0x8FFFF;
	_ =	strace $0x90000046  }
0xb7: {  	s29 =	simm.s32 $0x9;
	_ =	strace $0x80000048  }
0xb8: {  	_ =	swait.ge [sflag:s29], $0x1  }
0xb9: {  	[sflag:s29] =	ssyncadd.s32 $0xFFFFFFFF  }
0xba: {  	_ =	strace $0x90000048  }
0xbb: {  	_ =	sfence  }
0xbc: {  	s30 =	sld [smem:$0x0];
	_ =	sdelay $0x2  }
0xbd: {  	s31 =	sshll.u32 s1, $0xD;
	s1 =	sshrl.u32 s1, $0x2  }
0xbe: {  	s3 =	sand.u32 $0x4000, s31;
	s1 =	sadd.s32 s1, s30  }
0xbf: {  	s0 =	sor.u32 s3, s0;
	s1 =	sshll.u32 s1, $0x11  }
0xc0: {  	s0 =	sor.u32 s1, s0  }
0xc1: {  	s0 =	sadd.s32 $0x8F2B, s0  }
0xc2: {  	[sflag:s0] =	ssyncadd.remote.s32 $0x1  }
0xc3: {  	_ =	sfence.sel $0xFFFF  }
0xc4: {  	[dreg:$0x0] =	wrdreg $0xFFFFFFFF;
	(pc) =	sbr.abs _section_cstart, $3  }
0xc5: {  	[dreg:$0x1] =	wrdreg $0xFFFFFFFF  }
0xc6: {  	_ =	task.clear_ibuf [dreg:s9], $0x2FFFF;
	_ =	strace $0x9FFFFFFF  }
0xc7: {  	(tm) =	ssettm $0x7FFFFFFF  }
tec
execute0_lowered:
.L_overlay_start_1:
0x0: {  	(tag) =	ssettag $0x1  }
0x1: {  	s1 =	rddreg [dreg:$0x0]  }
0x2: {  	s3 =	rddreg [dreg:$0x1]  }
0x3: {  	s0 =	rddreg [dreg:$0x2]  }
0x4: {  	s26 =	rddreg [dreg:$0x4];
	s4 =	srdreg.scid  }
0x5: {  	s5 =	stileid.u32;
	s2 =	simm.s32 $0x0;
	s28 =	simm.s32 $0x80  }
0x6: {  	s29 =	simm.s32 $0x400;
	s30 =	simm.s32 $0x4000;
	s4 =	sand.u32 $0x1, s4  }
0x7: {  	s6 =	sshll.u32 s5, $0x1;
	[smem:$0x7FF] =	sst s2;
	s7 =	sshrl.u32 s5, $0x1  }
0x8: {  	s8 =	sadd.s32 $0x2600, s0;
	s11 =	sadd.s32 $0x2200, s0;
	s12 =	sadd.s32 $0x2A00, s0  }
0x9: {  	p0 =	sne.s32 s5, $0x0;
	s26 =	sadd.s32 $0x80, s26;
	s5 =	simm.s32 $0x14500  }
0xa: {  	s6 =	sor.u32 s4, s6;
	s9 =	smul.u32 $0xC3800, s7;
	s4 =	ssub.s32 $0x2, s4  }
0xb: {  	s7 =	sshll.u32 s7, $0x11;
	s10 =	sshll.u32 s6, $0x8;
	s13 =	sshrl.u32 s4, $0x1  }
0xc: {  	s16 =	sshllo.u32 s6, $0x1;
	s6 =	sshll.u32 s6, $0x5;
	s10 =	sand.u32 $0x300, s10  }
0xd: {  	s4 =	ssub.s32 s4, s13;
	s23 =	sadd.s32 $0x41400, s9;
	s15 =	sshll.u32 s16, $0x7  }
0xe: {  	s18 =	sadd.s32 $0x82800, s9;
	s14 =	sor.u32 s9, s10;
	s17 =	sor.u32 s23, s10  }
0xf: {  	s15 =	sand.u32 $0x380, s15;
	s19 =	sor.u32 s18, s10;
	s10 =	sor.u32 s7, s10  }
0x10: {  	s22 =	sshrl.u32 s14, $0x3;
	s17 =	sshrl.u32 s17, $0x3;
	s9 =	sor.u32 s9, s15  }
0x11: {  	s19 =	sshrl.u32 s19, $0x3;
	s18 =	sor.u32 s18, s15;
	s14 =	sadd.s32 s1, s22  }
0x12: {  	s7 =	sor.u32 s7, s15;
	s20 =	sadd.s32 s1, s17;
	[dreg:$0x6] =	wrdreg s14  }
0x13: {  	s9 =	sshrl.u32 s9, $0x3;
	s24 =	sadd.s32 s1, s19;
	[dreg:$0x7] =	wrdreg s20  }
0x14: {  	s18 =	sshrl.u32 s18, $0x3;
	s13 =	sadd.s32 s3, s22;
	[dreg:$0x8] =	wrdreg s24  }
0x15: {  	s22 =	sadd.s32 s8, s6;
	s25 =	sadd.s32 s1, s9;
	[dreg:$0xc] =	wrdreg s13  }
0x16: {  	s14 =	sor.u32 s23, s15;
	s15 =	sadd.s32 s3, s17;
	[dreg:$0x12] =	wrdreg s22  }
0x17: {  	s17 =	sadd.s32 s3, s19;
	s19 =	sadd.s32 s3, s9;
	[dreg:$0x9] =	wrdreg s25  }
0x18: {  	s21 =	sadd.s32 s3, s18;
	s23 =	sshrl.u32 s10, $0x3;
	[dreg:$0xd] =	wrdreg s15  }
0x19: {  	s24 =	sshll.u32 s16, $0x4;
	s9 =	simm.s32 $0x4;
	[dreg:$0xe] =	wrdreg s17  }
0x1a: {  	s10 =	simm.s32 $0x0;
	s14 =	sshrl.u32 s14, $0x3;
	[dreg:$0xf] =	wrdreg s19  }
0x1b: {  	[dreg:$0x11] =	wrdreg s21;
	s8 =	sadd.s32 s8, s24;
	s17 =	sadd.s32 s11, s6  }
0x1c: {  	s25 =	sadd.s32 $0x22A00, s0;
	s19 =	simm.s32 $0x5;
	s6 =	simm.s32 $0x143A0  }
0x1d: {  	s31 =	sadd.s32 s1, s14;
	s1 =	sadd.s32 s1, s18;
	[dreg:$0x13] =	wrdreg s8  }
0x1e: {  	s20 =	sadd.s32 s3, s14;
	s18 =	sadd.s32 s11, s24;
	[dreg:$0xa] =	wrdreg s31  }
0x1f: {  	s22 =	sadd.s32 s25, s23;
	s24 =	sadd.s32 $0x1A00, s0;
	[dreg:$0xb] =	wrdreg s1  }
0x20: {  	s0 =	simm.s32 $0xC280;
	s8 =	simm.s32 $0x3;
	[dreg:$0x10] =	wrdreg s20  }
0x21: {  	s31 =	sshrl.u32 s7, $0x3;
	s20 =	sadd.s32 s12, s23;
	s1 =	simm.s32 $0x1  }
0x22: {  	s7 =	simm.s32 $0x18500;
	s21 =	sadd.s32 s12, s31;
	s23 =	sadd.s32 s25, s31  }
0x23: {  	_ =	strace $0x80000047;
	s25 =	smax.u32 s4, $0x1;
	s4 =	simm.s32 $0x2  }
.LBB2_1:
0x24: {  	s3 =	rddreg [dreg:$0x6]  }
0x25: {  	s16 =	rddreg [dreg:$0x4];
	s12 =	simm.s32 @!p0 $0x1;
	s13 =	simm.s32 @!p0 $0x20  }
0x26: {  	[tilespmem:s30], [sflag:$0x1] =	stream.strided.gather [hbm4b:s3+s28], $0x8280, s29, s28, $0x38;
	[tilespmem:$0x1CD00] =	vst v63  }
0x27: {  	s31 =	simm.s32 @!p0 $0x10;
	s14 =	simm.s32 @!p0 $0x1C05;
	s11 =	sshrl.u32 @!p0 s16, $0x3  }
0x28: {  	[spmem:s11@s13], [sflag:s14] =	dma.strided @!p0 [hbm:s24@s31], $0x800, s12, $0x10   }
0x29: {  	s11 =	simm.s32 @!p0 $0x5  }
0x2a: {  	_ =	swait.ge @!p0 [sflag:s11], $0x800  }
0x2b: {  	[sflag:s11] =	ssyncset.done @!p0 $0x0  }
0x2c: {  	[sflag:s11] =	ssyncadd.s32 @!p0 $0xFFFFF800  }
0x2d: {  	s15 =	sshrl.u32 @!p0 s26, $0x3;
	s3 =	rddreg [dreg:$0x3]  }
0x2e: {  	[spmem:s15@s13], [sflag:s14] =	dma.strided @!p0 [hbm:s3@s31], $0x800, s12, $0x10   }
0x2f: {  	_ =	swait.ge @!p0 [sflag:s11], $0x800  }
0x30: {  	[sflag:s11] =	ssyncset.done @!p0 $0x0  }
0x31: {  	[sflag:s11] =	ssyncadd.s32 @!p0 $0xFFFFF800  }
0x32: {  	s14 =	simm.s32 $0x100;
	[bflag:$0x0] =	sbarrier.arrive $0xFFFF  }
0x33: {  	[tilespmem:s2], [sflag:$0x5] =	stream.strided.gather [spmem:s16], $0x4000, s14, s28, $0x38;
	[tilespmem:$0x1CD00] =	vst v63  }
0x34: {  	_ =	swait.ge [sflag:s19], $0x4000  }
0x35: {  	[sflag:s19] =	ssyncset.done $0x0  }
0x36: {  	s13 =	rddreg [dreg:$0x7];
	[sflag:s19] =	ssyncadd.s32 $0xFFFFC000  }
0x37: {  	[tilespmem:s0], [sflag:$0x2] =	stream.strided.gather [hbm4b:s13+s28], $0x8280, s29, s28, $0x38;
	[tilespmem:$0x1CD00] =	vst v63  }
0x38: {  	_ =	swait.ge [sflag:s1], $0x8280  }
0x39: {  	[sflag:s1] =	ssyncset.done $0x0  }
0x3a: {  	s15 =	simm.s32 $0x20;
	[sflag:s1] =	ssyncadd.s32 $0xFFFF7D80  }
0x3b: {  	v0 =	vld [tilespmem:s15+$0x10]  }
0x3c: {  	v1 =	vld [tilespmem:s15+$0xFFFFFFF0]  }
0x3d: {  	v2 =	vld [tilespmem:s15+$0x0]  }
0x3e: {  	v3 =	vld [tilespmem:s15+$0xFFFFFFE0];
	_ =	sdelay $0x1  }
0x3f: {  	vm0 =	vlt.u32 v0, $0x8280  }
0x40: {  	s16 =	simm.s32 $0x60;
	vm1 =	vlt.u32 v1, $0x8280  }
0x41: {  	v4 =	vld [tilespmem:s16+$0x10];
	vm2 =	vlt.u32 v2, $0x8280  }
0x42: {  	v5 =	vld [tilespmem:s16+$0xFFFFFFF0];
	vm3 =	vlt.u32 v3, $0x8280  }
0x43: {  	v6 =	vld [tilespmem:s16+$0x0]  }
0x44: {  	v8 =	vld [tilespmem:s16+$0xFFFFFFE0]  }
0x45: {  	v7 =	vld.idx.msk [tilespmem:v0+s30+$0x0], vm0  }
0x46: {  	vm4 =	vlt.u32 v4, $0x8280;
	v9 =	vld.idx.msk [tilespmem:v1+s30+$0x0], vm1  }
0x47: {  	v10 =	vld.idx.msk [tilespmem:v2+s30+$0x0], vm2  }
0x48: {  	s31 =	simm.s32 $0xA0;
	vm5 =	vlt.u32 v5, $0x8280;
	v11 =	vld.idx.msk [tilespmem:v3+s30+$0x0], vm3  }
0x49: {  	vm6 =	vlt.u32 v6, $0x8280;
	v2 =	vld [tilespmem:s31+$0x10]  }
0x4a: {  	vm7 =	vlt.u32 v8, $0x8280;
	v1 =	vld [tilespmem:s31+$0xFFFFFFF0]  }
0x4b: {  	vm0 =	vmmov vm0;
	v0 =	vld [tilespmem:s31+$0x0]  }
0x4c: {  	s11 =	simm.s32 $0x14520;
	vm1 =	vmmov vm1;
	v4 =	vld.idx.msk [tilespmem:v4+s30+$0x0], vm4;
	v3 =	vnsel vm0, $0x0, v7  }
0x4d: {  	vm8 =	vmmov vm3;
	vm2 =	vmmov vm2;
	v7 =	vnsel vm1, $0x0, v9;
	[tilespmem:s11+$0x10] =	vst v3;
	v3 =	vld [tilespmem:s31+$0xFFFFFFE0]  }
0x4e: {  	vm3 =	vmmov vm4;
	v5 =	vld.idx.msk [tilespmem:v5+s30+$0x0], vm5;
	vm4 =	vmmov vm7;
	v63 =	vnsel vm8, $0x0, v11;
	[tilespmem:s11+$0xFFFFFFF0] =	vst v7  }
0x4f: {  	v6 =	vld.idx.msk [tilespmem:v6+s30+$0x0], vm6;
	vm0 =	vmmov vm5;
	vm1 =	vmmov vm6;
	v7 =	vnsel vm2, $0x0, v10;
	[tilespmem:s11+$0xFFFFFFE0] =	vst v63  }
0x50: {  	s12 =	simm.s32 $0x80;
	s13 =	simm.s32 $0xE0;
	vm5 =	vlt.u32 v2, $0x8280;
	vm6 =	vlt.u32 v1, $0x8280;
	vm2 =	vlt.u32 v0, $0x8280;
	[tilespmem:s11+$0x0] =	vst v7;
	v7 =	vld.idx.msk [tilespmem:v8+s30+$0x0], vm7  }
.LBB2_2:
0x51: {  	v8 =	vld [tilespmem:s13+$0x10];
	s12 =	sadd.s32 $0x40, s12  }
0x52: {  	v4 =	vnsel vm3, $0x0, v4;
	s11 =	sadd.s32 $0x40, s11;
	vm3 =	vmmov vm5;
	v9 =	vld [tilespmem:s13+$0xFFFFFFF0];
	p1 =	slt.u32 s12, $0x3FC0;
	vm7 =	vlt.u32 v3, $0x8280;
	v10 =	vmovc v3  }
0x53: {  	v11 =	vld [tilespmem:s13+$0x0];
	[tilespmem:s11+$0x10] =	vst v4  }
.Ltmp0:
0x54: {  	v12 =	vnsel vm0, $0x0, v5;
	vm0 =	vmmov vm6;
	v4 =	vld.idx.msk [tilespmem:v2+s30+$0x0], vm5;
	(pc) =	sbr.rel @p1 .LBB2_2-.Ltmp0, $4  }
0x55: {  	v6 =	vnsel vm1, $0x0, v6;
	vm1 =	vmmov vm2;
	v3 =	vld [tilespmem:s13+$0xFFFFFFE0];
	[tilespmem:s11+$0xFFFFFFF0] =	vst v12  }
0x56: {  	v7 =	vnsel vm4, $0x0, v7;
	vm4 =	vmmov vm7;
	vm5 =	vlt.u32 v8, $0x8280;
	v5 =	vld.idx.msk [tilespmem:v1+s30+$0x0], vm6;
	[tilespmem:s11+$0x0] =	vst v6;
	v2 =	vmovc v8  }
0x57: {  	vm6 =	vlt.u32 v9, $0x8280;
	v6 =	vld.idx.msk [tilespmem:v0+s30+$0x0], vm2;
	[tilespmem:s11+$0xFFFFFFE0] =	vst v7;
	v1 =	vmov v9  }
0x58: {  	s13 =	sadd.s32 $0x40, s13;
	vm2 =	vlt.u32 v11, $0x8280;
	v7 =	vld.idx.msk [tilespmem:v10+s30+$0x0], vm7;
	v0 =	vmov v11  }
0x59: {  	_ =	sdelay $0x1  }
0x5a: {  	vm7 =	vlt.u32 v3, $0x8280;
	_ =	sdelay $0x2  }
0x5b: {  	v2 =	vld.idx.msk [tilespmem:v2+s30+$0x0], vm5  }
0x5c: {  	v4 =	vnsel vm3, $0x0, v4;
	s11 =	sadd.s32 $0x40, s11;
	v1 =	vld.idx.msk [tilespmem:v1+s30+$0x0], vm6  }
0x5d: {  	v0 =	vld.idx.msk [tilespmem:v0+s30+$0x0], vm2;
	[tilespmem:s11+$0x10] =	vst v4;
	v4 =	vnsel vm0, $0x0, v5  }
0x5e: {  	[tilespmem:s11+$0xFFFFFFF0] =	vst v4;
	v4 =	vnsel vm1, $0x0, v6;
	v3 =	vld.idx.msk [tilespmem:v3+s30+$0x0], vm7  }
0x5f: {  	vm0 =	vmmov vm5;
	v5 =	vnsel vm4, $0x0, v7;
	[tilespmem:s11+$0x0] =	vst v4  }
0x60: {  	vm1 =	vmmov vm6;
	[tilespmem:s11+$0xFFFFFFE0] =	vst v5;
	v2 =	vnsel vm0, $0x0, v2;
	s11 =	sadd.s32 $0x40, s11  }
0x61: {  	vm0 =	vmmov vm2;
	v1 =	vnsel vm1, $0x0, v1;
	[tilespmem:s11+$0x10] =	vst v2  }
0x62: {  	vm1 =	vmmov vm7;
	[tilespmem:s11+$0xFFFFFFF0] =	vst v1;
	v0 =	vnsel vm0, $0x0, v0  }
0x63: {  	[tilespmem:s11+$0x0] =	vst v0;
	v1 =	vnsel vm1, $0x0, v3  }
0x64: {  	[tilespmem:s11+$0xFFFFFFE0] =	vst v1  }
0x65: {  	s3 =	rddreg [dreg:$0x8]  }
0x66: {  	[tilespmem:s30], [sflag:$0x1] =	stream.strided.gather [hbm4b:s3+s28], $0x8180, s29, s28, $0x38;
	[tilespmem:$0x1CD00] =	vst v63  }
0x67: {  	s15 =	simm.s32 $0xC120;
	s12 =	rddreg [dreg:$0x12]  }
0x68: {  	[tilespmem:s15], [sflag:$0x1] =	stream.linear.gather [hbm4b:s12+s2], $0x80, $0x38;
	[tilespmem:$0x1CD00] =	vst v63  }
0x69: {  	_ =	swait.ge [sflag:s4], $0x8280  }
0x6a: {  	[sflag:s4] =	ssyncset.done $0x0  }
0x6b: {  	s13 =	simm.s32 $0x20;
	[sflag:s4] =	ssyncadd.s32 $0xFFFF7D80  }
0x6c: {  	v0 =	vld [tilespmem:s13+$0x10]  }
0x6d: {  	v1 =	vld [tilespmem:s13+$0xFFFFFFE0]  }
0x6e: {  	v2 =	vld [tilespmem:s13+$0xFFFFFFF0]  }
0x6f: {  	v3 =	vld [tilespmem:s13+$0x0];
	_ =	sdelay $0x1  }
0x70: {  	v0 =	vadd.s32 $0xFFFF7D80, v0  }
0x71: {  	v1 =	vadd.s32 $0xFFFF7D80, v1;
	vm3 =	vlt.u32 v0, $0x8280  }
0x72: {  	v2 =	vadd.s32 $0xFFFF7D80, v2;
	vm0 =	vlt.u32 v1, $0x8280  }
0x73: {  	s16 =	simm.s32 $0x60;
	v5 =	vadd.s32 $0xFFFF7D80, v3;
	vm6 =	vmmov vm0;
	vm0 =	vlt.u32 v2, $0x8280  }
0x74: {  	v4 =	vld [tilespmem:s16+$0x10];
	vm1 =	vlt.u32 v5, $0x8280;
	vm0 =	vmmov vm0  }
0x75: {  	v7 =	vld [tilespmem:s16+$0xFFFFFFE0];
	vm1 =	vmmov vm1  }
0x76: {  	v8 =	vld [tilespmem:s16+$0x0]  }
0x77: {  	v6 =	vld.idx.msk [tilespmem:v0+s0+$0x0], vm3  }
0x78: {  	v0 =	vld [tilespmem:s16+$0xFFFFFFF0]  }
0x79: {  	v3 =	vadd.s32 $0xFFFF7D80, v4;
	v9 =	vld.idx.msk [tilespmem:v1+s0+$0x0], vm6  }
0x7a: {  	vm2 =	vlt.u32 v3, $0x8280;
	v2 =	vld.idx.msk [tilespmem:v2+s0+$0x0], vm0  }
0x7b: {  	v5 =	vld.idx.msk [tilespmem:v5+s0+$0x0], vm1  }
0x7c: {  	v1 =	vadd.s32 $0xFFFF7D80, v8;
	v4 =	vnsel vm3, $0x0, v6;
	v6 =	vadd.s32 $0xFFFF7D80, v7  }
0x7d: {  	s11 =	simm.s32 $0x14530;
	vm5 =	vlt.u32 v1, $0x8280;
	v0 =	vadd.s32 $0xFFFF7D80, v0;
	vm3 =	vlt.u32 v6, $0x8280  }
0x7e: {  	s31 =	simm.s32 $0x40;
	s12 =	simm.s32 $0x14530;
	s13 =	simm.s32 $0xA0;
	vm4 =	vlt.u32 v0, $0x8280;
	[tilespmem:s11+$0x0] =	vst.add.f32.msk $0xffff, v4;
	v4 =	vnsel vm6, $0x0, v9;
	vm3 =	vmmov vm3  }
.LBB2_4:
0x7f: {  	v7 =	vld [tilespmem:s13+$0x10];
	v8 =	vnsel vm0, $0x0, v2;
	vm0 =	vmmov vm4  }
0x80: {  	s31 =	sadd.s32 $0x40, s31;
	v10 =	vnsel vm1, $0x0, v5;
	vm1 =	vmmov vm5;
	v9 =	vld.idx.msk [tilespmem:v3+s0+$0x0], vm2  }
0x81: {  	p1 =	slt.u32 s31, $0x3FC0;
	v5 =	vld [tilespmem:s13+$0xFFFFFFF0]  }
0x82: {  	v11 =	vld [tilespmem:s13+$0x0]  }
0x83: {  	v12 =	vld [tilespmem:s13+$0xFFFFFFE0]  }
0x84: {  	v13 =	vld.idx.msk [tilespmem:v6+s0+$0x0], vm3  }
0x85: {  	v3 =	vadd.s32 $0xFFFF7D80, v7;
	v2 =	vld.idx.msk [tilespmem:v0+s0+$0x0], vm4  }
.Ltmp1:
0x86: {  	s11 =	sadd.s32 $0x40, s11;
	v6 =	vnsel vm2, $0x0, v9;
	vm2 =	vlt.u32 v3, $0x8280;
	v0 =	vadd.s32 $0xFFFF7D80, v5;
	v5 =	vld.idx.msk [tilespmem:v1+s0+$0x0], vm5;
	(pc) =	sbr.rel @p1 .LBB2_4-.Ltmp1, $4  }
0x87: {  	vm4 =	vlt.u32 v0, $0x8280;
	v1 =	vadd.s32 $0xFFFF7D80, v11;
	[tilespmem:s11+$0x0] =	vst.add.f32.msk $0xffff, v6  }
0x88: {  	v6 =	vadd.s32 $0xFFFF7D80, v12;
	vm5 =	vlt.u32 v1, $0x8280;
	[tilespmem:s12+$0xFFFFFFD0] =	vst.add.f32.msk $0xffff, v4  }
0x89: {  	vm6 =	vlt.u32 v6, $0x8280;
	[tilespmem:s12+$0xFFFFFFE0] =	vst.add.f32.msk $0xffff, v8  }
0x8a: {  	s13 =	sadd.s32 $0x40, s13;
	v4 =	vnsel vm3, $0x0, v13;
	[tilespmem:s12+$0xFFFFFFF0] =	vst.add.f32.msk $0xffff, v10;
	vm3 =	vmmov vm6;
	s12 =	smov.u32 s11  }
0x8b: {  	_ =	sdelay $0x1  }
0x8c: {  	vm4 =	vmmov vm4  }
0x8d: {  	vm5 =	vmmov vm5;
	_ =	sdelay $0x1  }
0x8e: {  	v3 =	vld.idx.msk [tilespmem:v3+s0+$0x0], vm2  }
0x8f: {  	v6 =	vld.idx.msk [tilespmem:v6+s0+$0x0], vm3  }
0x90: {  	[tilespmem:s12+$0xFFFFFFD0] =	vst.add.f32.msk $0xffff, v4  }
0x91: {  	v0 =	vld.idx.msk [tilespmem:v0+s0+$0x0], vm4  }
0x92: {  	v2 =	vnsel vm0, $0x0, v2;
	v1 =	vld.idx.msk [tilespmem:v1+s0+$0x0], vm5  }
0x93: {  	s11 =	sadd.s32 $0x40, s11;
	[tilespmem:s12+$0xFFFFFFE0] =	vst.add.f32.msk $0xffff, v2;
	v3 =	vnsel vm2, $0x0, v3  }
0x94: {  	v2 =	vnsel vm3, $0x0, v6;
	[tilespmem:s11+$0x0] =	vst.add.f32.msk $0xffff, v3  }
0x95: {  	v3 =	vnsel vm1, $0x0, v5;
	[tilespmem:s11+$0xFFFFFFD0] =	vst.add.f32.msk $0xffff, v2  }
0x96: {  	[tilespmem:s12+$0xFFFFFFF0] =	vst.add.f32.msk $0xffff, v3;
	v0 =	vnsel vm4, $0x0, v0  }
0x97: {  	v1 =	vnsel vm5, $0x0, v1;
	[tilespmem:s11+$0xFFFFFFE0] =	vst.add.f32.msk $0xffff, v0  }
0x98: {  	[tilespmem:s11+$0xFFFFFFF0] =	vst.add.f32.msk $0xffff, v1  }
0x99: {  	s3 =	rddreg [dreg:$0x9]  }
0x9a: {  	[tilespmem:s0], [sflag:$0x2] =	stream.strided.gather [hbm4b:s3+s28], $0x8280, s29, s28, $0x38;
	[tilespmem:$0x1CD00] =	vst v63  }
0x9b: {  	_ =	swait.ge [sflag:s1], $0x8180  }
0x9c: {  	[sflag:s1] =	ssyncset.done $0x0  }
0x9d: {  	[sflag:s1] =	ssyncadd.s32 $0xFFFF7E80  }
0x9e: {  	_ =	swait.ge [sflag:s1], $0x80  }
0x9f: {  	[sflag:s1] =	ssyncset.done $0x0  }
0xa0: {  	s13 =	simm.s32 $0x20;
	[sflag:s1] =	ssyncadd.s32 $0xFFFFFF80  }
0xa1: {  	v0 =	vld [tilespmem:s13+$0x10]  }
0xa2: {  	v1 =	vld [tilespmem:s13+$0xFFFFFFE0]  }
0xa3: {  	v2 =	vld [tilespmem:s13+$0xFFFFFFF0]  }
0xa4: {  	v3 =	vld [tilespmem:s13+$0x0];
	_ =	sdelay $0x1  }
0xa5: {  	v0 =	vadd.s32 $0xFFFEFB00, v0  }
0xa6: {  	v1 =	vadd.s32 $0xFFFEFB00, v1;
	vm3 =	vlt.u32 v0, $0x81A0  }
0xa7: {  	v2 =	vadd.s32 $0xFFFEFB00, v2;
	vm0 =	vlt.u32 v1, $0x81A0  }
0xa8: {  	s16 =	simm.s32 $0x60;
	v5 =	vadd.s32 $0xFFFEFB00, v3;
	vm6 =	vmmov vm0;
	vm0 =	vlt.u32 v2, $0x81A0  }
0xa9: {  	v4 =	vld [tilespmem:s16+$0x10];
	vm1 =	vlt.u32 v5, $0x81A0;
	vm0 =	vmmov vm0  }
0xaa: {  	v7 =	vld [tilespmem:s16+$0xFFFFFFE0];
	vm1 =	vmmov vm1  }
0xab: {  	v8 =	vld [tilespmem:s16+$0x0]  }
0xac: {  	v6 =	vld.idx.msk [tilespmem:v0+s30+$0x0], vm3  }
0xad: {  	v0 =	vld [tilespmem:s16+$0xFFFFFFF0]  }
0xae: {  	v3 =	vadd.s32 $0xFFFEFB00, v4;
	v9 =	vld.idx.msk [tilespmem:v1+s30+$0x0], vm6  }
0xaf: {  	vm2 =	vlt.u32 v3, $0x81A0;
	v2 =	vld.idx.msk [tilespmem:v2+s30+$0x0], vm0  }
0xb0: {  	v5 =	vld.idx.msk [tilespmem:v5+s30+$0x0], vm1  }
0xb1: {  	v1 =	vadd.s32 $0xFFFEFB00, v8;
	v4 =	vnsel vm3, $0x0, v6;
	v6 =	vadd.s32 $0xFFFEFB00, v7  }
0xb2: {  	s11 =	simm.s32 $0x14530;
	vm5 =	vlt.u32 v1, $0x81A0;
	v0 =	vadd.s32 $0xFFFEFB00, v0;
	vm3 =	vlt.u32 v6, $0x81A0  }
0xb3: {  	s31 =	simm.s32 $0x40;
	s12 =	simm.s32 $0x14530;
	s13 =	simm.s32 $0xA0;
	vm4 =	vlt.u32 v0, $0x81A0;
	[tilespmem:s11+$0x0] =	vst.add.f32.msk $0xffff, v4;
	v4 =	vnsel vm6, $0x0, v9;
	vm3 =	vmmov vm3  }
.LBB2_6:
0xb4: {  	v7 =	vld [tilespmem:s13+$0x10];
	v8 =	vnsel vm0, $0x0, v2;
	vm0 =	vmmov vm4  }
0xb5: {  	s31 =	sadd.s32 $0x40, s31;
	v10 =	vnsel vm1, $0x0, v5;
	vm1 =	vmmov vm5;
	v9 =	vld.idx.msk [tilespmem:v3+s30+$0x0], vm2  }
0xb6: {  	p1 =	slt.u32 s31, $0x3FC0;
	v5 =	vld [tilespmem:s13+$0xFFFFFFF0]  }
0xb7: {  	v11 =	vld [tilespmem:s13+$0x0]  }
0xb8: {  	v12 =	vld [tilespmem:s13+$0xFFFFFFE0]  }
0xb9: {  	v13 =	vld.idx.msk [tilespmem:v6+s30+$0x0], vm3  }
0xba: {  	v3 =	vadd.s32 $0xFFFEFB00, v7;
	v2 =	vld.idx.msk [tilespmem:v0+s30+$0x0], vm4  }
.Ltmp2:
0xbb: {  	s11 =	sadd.s32 $0x40, s11;
	v6 =	vnsel vm2, $0x0, v9;
	vm2 =	vlt.u32 v3, $0x81A0;
	v0 =	vadd.s32 $0xFFFEFB00, v5;
	v5 =	vld.idx.msk [tilespmem:v1+s30+$0x0], vm5;
	(pc) =	sbr.rel @p1 .LBB2_6-.Ltmp2, $4  }
0xbc: {  	vm4 =	vlt.u32 v0, $0x81A0;
	v1 =	vadd.s32 $0xFFFEFB00, v11;
	[tilespmem:s11+$0x0] =	vst.add.f32.msk $0xffff, v6  }
0xbd: {  	v6 =	vadd.s32 $0xFFFEFB00, v12;
	vm5 =	vlt.u32 v1, $0x81A0;
	[tilespmem:s12+$0xFFFFFFD0] =	vst.add.f32.msk $0xffff, v4  }
0xbe: {  	vm6 =	vlt.u32 v6, $0x81A0;
	[tilespmem:s12+$0xFFFFFFE0] =	vst.add.f32.msk $0xffff, v8  }
0xbf: {  	s13 =	sadd.s32 $0x40, s13;
	v4 =	vnsel vm3, $0x0, v13;
	[tilespmem:s12+$0xFFFFFFF0] =	vst.add.f32.msk $0xffff, v10;
	vm3 =	vmmov vm6;
	s12 =	smov.u32 s11  }
0xc0: {  	_ =	sdelay $0x1  }
0xc1: {  	vm4 =	vmmov vm4  }
0xc2: {  	vm5 =	vmmov vm5;
	_ =	sdelay $0x1  }
0xc3: {  	v3 =	vld.idx.msk [tilespmem:v3+s30+$0x0], vm2  }
0xc4: {  	v6 =	vld.idx.msk [tilespmem:v6+s30+$0x0], vm3  }
0xc5: {  	[tilespmem:s12+$0xFFFFFFD0] =	vst.add.f32.msk $0xffff, v4  }
0xc6: {  	v0 =	vld.idx.msk [tilespmem:v0+s30+$0x0], vm4  }
0xc7: {  	v2 =	vnsel vm0, $0x0, v2;
	v1 =	vld.idx.msk [tilespmem:v1+s30+$0x0], vm5  }
0xc8: {  	s11 =	sadd.s32 $0x40, s11;
	[tilespmem:s12+$0xFFFFFFE0] =	vst.add.f32.msk $0xffff, v2;
	v3 =	vnsel vm2, $0x0, v3  }
0xc9: {  	v2 =	vnsel vm3, $0x0, v6;
	[tilespmem:s11+$0x0] =	vst.add.f32.msk $0xffff, v3  }
0xca: {  	v3 =	vnsel vm1, $0x0, v5;
	[tilespmem:s11+$0xFFFFFFD0] =	vst.add.f32.msk $0xffff, v2  }
0xcb: {  	[tilespmem:s12+$0xFFFFFFF0] =	vst.add.f32.msk $0xffff, v3;
	v0 =	vnsel vm4, $0x0, v0  }
0xcc: {  	v1 =	vnsel vm5, $0x0, v1;
	[tilespmem:s11+$0xFFFFFFE0] =	vst.add.f32.msk $0xffff, v0  }
0xcd: {  	[tilespmem:s11+$0xFFFFFFF0] =	vst.add.f32.msk $0xffff, v1  }
0xce: {  	[hbm4b:s20+s28] =	stream.strided.scatter [tilespmem:s5], [sflag:$0x3], $0x4000, s29, s28, $0x38;
	[tilespmem:$0x1CD00] =	vst v63  }
0xcf: {  	s3 =	rddreg [dreg:$0xa]  }
0xd0: {  	[tilespmem:s30], [sflag:$0x1] =	stream.strided.gather [hbm4b:s3+s28], $0x8280, s29, s28, $0x38;
	[tilespmem:$0x1CD00] =	vst v63  }
0xd1: {  	_ =	swait.ge [sflag:s4], $0x8280  }
0xd2: {  	[sflag:s4] =	ssyncset.done $0x0  }
0xd3: {  	s13 =	simm.s32 $0x20;
	[sflag:s4] =	ssyncadd.s32 $0xFFFF7D80  }
0xd4: {  	v0 =	vld [tilespmem:s13+$0x10]  }
0xd5: {  	v1 =	vld [tilespmem:s13+$0xFFFFFFF0]  }
0xd6: {  	v2 =	vld [tilespmem:s13+$0x0]  }
0xd7: {  	v3 =	vld [tilespmem:s13+$0xFFFFFFE0];
	_ =	sdelay $0x1  }
0xd8: {  	vm0 =	vlt.u32 v0, $0x8280  }
0xd9: {  	s16 =	simm.s32 $0x60;
	vm1 =	vlt.u32 v1, $0x8280  }
0xda: {  	v4 =	vld [tilespmem:s16+$0x10];
	vm2 =	vlt.u32 v2, $0x8280  }
0xdb: {  	v5 =	vld [tilespmem:s16+$0xFFFFFFF0];
	vm3 =	vlt.u32 v3, $0x8280  }
0xdc: {  	v6 =	vld [tilespmem:s16+$0x0]  }
0xdd: {  	v8 =	vld [tilespmem:s16+$0xFFFFFFE0]  }
0xde: {  	v7 =	vld.idx.msk [tilespmem:v0+s0+$0x0], vm0  }
0xdf: {  	vm4 =	vlt.u32 v4, $0x8280;
	v9 =	vld.idx.msk [tilespmem:v1+s0+$0x0], vm1  }
0xe0: {  	v10 =	vld.idx.msk [tilespmem:v2+s0+$0x0], vm2  }
0xe1: {  	s31 =	simm.s32 $0xA0;
	vm5 =	vlt.u32 v5, $0x8280;
	v11 =	vld.idx.msk [tilespmem:v3+s0+$0x0], vm3  }
0xe2: {  	vm6 =	vlt.u32 v6, $0x8280;
	v2 =	vld [tilespmem:s31+$0x10]  }
0xe3: {  	vm7 =	vlt.u32 v8, $0x8280;
	v1 =	vld [tilespmem:s31+$0xFFFFFFF0]  }
0xe4: {  	vm0 =	vmmov vm0;
	v0 =	vld [tilespmem:s31+$0x0]  }
0xe5: {  	s11 =	simm.s32 $0x18520;
	vm1 =	vmmov vm1;
	v4 =	vld.idx.msk [tilespmem:v4+s0+$0x0], vm4;
	v3 =	vnsel vm0, $0x0, v7  }
0xe6: {  	vm8 =	vmmov vm3;
	vm2 =	vmmov vm2;
	v7 =	vnsel vm1, $0x0, v9;
	[tilespmem:s11+$0x10] =	vst v3;
	v3 =	vld [tilespmem:s31+$0xFFFFFFE0]  }
0xe7: {  	vm3 =	vmmov vm4;
	v5 =	vld.idx.msk [tilespmem:v5+s0+$0x0], vm5;
	vm4 =	vmmov vm7;
	v63 =	vnsel vm8, $0x0, v11;
	[tilespmem:s11+$0xFFFFFFF0] =	vst v7  }
0xe8: {  	v6 =	vld.idx.msk [tilespmem:v6+s0+$0x0], vm6;
	vm0 =	vmmov vm5;
	vm1 =	vmmov vm6;
	v7 =	vnsel vm2, $0x0, v10;
	[tilespmem:s11+$0xFFFFFFE0] =	vst v63  }
0xe9: {  	s12 =	simm.s32 $0x80;
	s13 =	simm.s32 $0xE0;
	vm5 =	vlt.u32 v2, $0x8280;
	vm6 =	vlt.u32 v1, $0x8280;
	vm2 =	vlt.u32 v0, $0x8280;
	[tilespmem:s11+$0x0] =	vst v7;
	v7 =	vld.idx.msk [tilespmem:v8+s0+$0x0], vm7  }
.LBB2_8:
0xea: {  	v8 =	vld [tilespmem:s13+$0x10];
	s12 =	sadd.s32 $0x40, s12  }
0xeb: {  	v4 =	vnsel vm3, $0x0, v4;
	s11 =	sadd.s32 $0x40, s11;
	vm3 =	vmmov vm5;
	v9 =	vld [tilespmem:s13+$0xFFFFFFF0];
	p1 =	slt.u32 s12, $0x3FC0;
	vm7 =	vlt.u32 v3, $0x8280;
	v10 =	vmovc v3  }
0xec: {  	v11 =	vld [tilespmem:s13+$0x0];
	[tilespmem:s11+$0x10] =	vst v4  }
.Ltmp3:
0xed: {  	v12 =	vnsel vm0, $0x0, v5;
	vm0 =	vmmov vm6;
	v4 =	vld.idx.msk [tilespmem:v2+s0+$0x0], vm5;
	(pc) =	sbr.rel @p1 .LBB2_8-.Ltmp3, $4  }
0xee: {  	v6 =	vnsel vm1, $0x0, v6;
	vm1 =	vmmov vm2;
	v3 =	vld [tilespmem:s13+$0xFFFFFFE0];
	[tilespmem:s11+$0xFFFFFFF0] =	vst v12  }
0xef: {  	v7 =	vnsel vm4, $0x0, v7;
	vm4 =	vmmov vm7;
	vm5 =	vlt.u32 v8, $0x8280;
	v5 =	vld.idx.msk [tilespmem:v1+s0+$0x0], vm6;
	[tilespmem:s11+$0x0] =	vst v6;
	v2 =	vmovc v8  }
0xf0: {  	vm6 =	vlt.u32 v9, $0x8280;
	v6 =	vld.idx.msk [tilespmem:v0+s0+$0x0], vm2;
	[tilespmem:s11+$0xFFFFFFE0] =	vst v7;
	v1 =	vmov v9  }
0xf1: {  	s13 =	sadd.s32 $0x40, s13;
	vm2 =	vlt.u32 v11, $0x8280;
	v7 =	vld.idx.msk [tilespmem:v10+s0+$0x0], vm7;
	v0 =	vmov v11  }
0xf2: {  	_ =	sdelay $0x1  }
0xf3: {  	vm7 =	vlt.u32 v3, $0x8280;
	_ =	sdelay $0x2  }
0xf4: {  	v2 =	vld.idx.msk [tilespmem:v2+s0+$0x0], vm5  }
0xf5: {  	v4 =	vnsel vm3, $0x0, v4;
	s11 =	sadd.s32 $0x40, s11;
	v1 =	vld.idx.msk [tilespmem:v1+s0+$0x0], vm6  }
0xf6: {  	v0 =	vld.idx.msk [tilespmem:v0+s0+$0x0], vm2;
	[tilespmem:s11+$0x10] =	vst v4;
	v4 =	vnsel vm0, $0x0, v5  }
0xf7: {  	[tilespmem:s11+$0xFFFFFFF0] =	vst v4;
	v4 =	vnsel vm1, $0x0, v6;
	v3 =	vld.idx.msk [tilespmem:v3+s0+$0x0], vm7  }
0xf8: {  	vm0 =	vmmov vm5;
	v5 =	vnsel vm4, $0x0, v7;
	[tilespmem:s11+$0x0] =	vst v4  }
0xf9: {  	vm1 =	vmmov vm6;
	[tilespmem:s11+$0xFFFFFFE0] =	vst v5;
	v2 =	vnsel vm0, $0x0, v2;
	s11 =	sadd.s32 $0x40, s11  }
0xfa: {  	vm0 =	vmmov vm2;
	v1 =	vnsel vm1, $0x0, v1;
	[tilespmem:s11+$0x10] =	vst v2  }
0xfb: {  	vm1 =	vmmov vm7;
	[tilespmem:s11+$0xFFFFFFF0] =	vst v1;
	v0 =	vnsel vm0, $0x0, v0  }
0xfc: {  	[tilespmem:s11+$0x0] =	vst v0;
	v1 =	vnsel vm1, $0x0, v3  }
0xfd: {  	[tilespmem:s11+$0xFFFFFFE0] =	vst v1  }
0xfe: {  	s3 =	rddreg [dreg:$0xb]  }
0xff: {  	[tilespmem:s0], [sflag:$0x2] =	stream.strided.gather [hbm4b:s3+s28], $0x8180, s29, s28, $0x38;
	[tilespmem:$0x1CD00] =	vst v63  }
0x100: {  	s12 =	rddreg [dreg:$0x13]  }
0x101: {  	[tilespmem:s6], [sflag:$0x2] =	stream.linear.gather [hbm4b:s12+s2], $0x80, $0x38;
	[tilespmem:$0x1CD00] =	vst v63  }
0x102: {  	_ =	swait.ge [sflag:s1], $0x8280  }
0x103: {  	[sflag:s1] =	ssyncset.done $0x0  }
0x104: {  	s13 =	simm.s32 $0x20;
	[sflag:s1] =	ssyncadd.s32 $0xFFFF7D80  }
0x105: {  	v0 =	vld [tilespmem:s13+$0x10]  }
0x106: {  	v1 =	vld [tilespmem:s13+$0xFFFFFFE0]  }
0x107: {  	v2 =	vld [tilespmem:s13+$0xFFFFFFF0]  }
0x108: {  	v3 =	vld [tilespmem:s13+$0x0];
	_ =	sdelay $0x1  }
0x109: {  	v0 =	vadd.s32 $0xFFFF7D80, v0  }
0x10a: {  	v1 =	vadd.s32 $0xFFFF7D80, v1;
	vm3 =	vlt.u32 v0, $0x8280  }
0x10b: {  	v2 =	vadd.s32 $0xFFFF7D80, v2;
	vm0 =	vlt.u32 v1, $0x8280  }
0x10c: {  	s16 =	simm.s32 $0x60;
	v5 =	vadd.s32 $0xFFFF7D80, v3;
	vm6 =	vmmov vm0;
	vm0 =	vlt.u32 v2, $0x8280  }
0x10d: {  	v4 =	vld [tilespmem:s16+$0x10];
	vm1 =	vlt.u32 v5, $0x8280;
	vm0 =	vmmov vm0  }
0x10e: {  	v7 =	vld [tilespmem:s16+$0xFFFFFFE0];
	vm1 =	vmmov vm1  }
0x10f: {  	v8 =	vld [tilespmem:s16+$0x0]  }
0x110: {  	v6 =	vld.idx.msk [tilespmem:v0+s30+$0x0], vm3  }
0x111: {  	v0 =	vld [tilespmem:s16+$0xFFFFFFF0]  }
0x112: {  	v3 =	vadd.s32 $0xFFFF7D80, v4;
	v9 =	vld.idx.msk [tilespmem:v1+s30+$0x0], vm6  }
0x113: {  	vm2 =	vlt.u32 v3, $0x8280;
	v2 =	vld.idx.msk [tilespmem:v2+s30+$0x0], vm0  }
0x114: {  	v5 =	vld.idx.msk [tilespmem:v5+s30+$0x0], vm1  }
0x115: {  	v1 =	vadd.s32 $0xFFFF7D80, v8;
	v4 =	vnsel vm3, $0x0, v6;
	v6 =	vadd.s32 $0xFFFF7D80, v7  }
0x116: {  	s11 =	simm.s32 $0x18530;
	vm5 =	vlt.u32 v1, $0x8280;
	v0 =	vadd.s32 $0xFFFF7D80, v0;
	vm3 =	vlt.u32 v6, $0x8280  }
0x117: {  	s31 =	simm.s32 $0x40;
	s12 =	simm.s32 $0x18530;
	s13 =	simm.s32 $0xA0;
	vm4 =	vlt.u32 v0, $0x8280;
	[tilespmem:s11+$0x0] =	vst.add.f32.msk $0xffff, v4;
	v4 =	vnsel vm6, $0x0, v9;
	vm3 =	vmmov vm3  }
.LBB2_10:
0x118: {  	v7 =	vld [tilespmem:s13+$0x10];
	v8 =	vnsel vm0, $0x0, v2;
	vm0 =	vmmov vm4  }
0x119: {  	s31 =	sadd.s32 $0x40, s31;
	v10 =	vnsel vm1, $0x0, v5;
	vm1 =	vmmov vm5;
	v9 =	vld.idx.msk [tilespmem:v3+s30+$0x0], vm2  }
0x11a: {  	p1 =	slt.u32 s31, $0x3FC0;
	v5 =	vld [tilespmem:s13+$0xFFFFFFF0]  }
0x11b: {  	v11 =	vld [tilespmem:s13+$0x0]  }
0x11c: {  	v12 =	vld [tilespmem:s13+$0xFFFFFFE0]  }
0x11d: {  	v13 =	vld.idx.msk [tilespmem:v6+s30+$0x0], vm3  }
0x11e: {  	v3 =	vadd.s32 $0xFFFF7D80, v7;
	v2 =	vld.idx.msk [tilespmem:v0+s30+$0x0], vm4  }
.Ltmp4:
0x11f: {  	s11 =	sadd.s32 $0x40, s11;
	v6 =	vnsel vm2, $0x0, v9;
	vm2 =	vlt.u32 v3, $0x8280;
	v0 =	vadd.s32 $0xFFFF7D80, v5;
	v5 =	vld.idx.msk [tilespmem:v1+s30+$0x0], vm5;
	(pc) =	sbr.rel @p1 .LBB2_10-.Ltmp4, $4  }
0x120: {  	vm4 =	vlt.u32 v0, $0x8280;
	v1 =	vadd.s32 $0xFFFF7D80, v11;
	[tilespmem:s11+$0x0] =	vst.add.f32.msk $0xffff, v6  }
0x121: {  	v6 =	vadd.s32 $0xFFFF7D80, v12;
	vm5 =	vlt.u32 v1, $0x8280;
	[tilespmem:s12+$0xFFFFFFD0] =	vst.add.f32.msk $0xffff, v4  }
0x122: {  	vm6 =	vlt.u32 v6, $0x8280;
	[tilespmem:s12+$0xFFFFFFE0] =	vst.add.f32.msk $0xffff, v8  }
0x123: {  	s13 =	sadd.s32 $0x40, s13;
	v4 =	vnsel vm3, $0x0, v13;
	[tilespmem:s12+$0xFFFFFFF0] =	vst.add.f32.msk $0xffff, v10;
	vm3 =	vmmov vm6;
	s12 =	smov.u32 s11  }
0x124: {  	_ =	sdelay $0x1  }
0x125: {  	vm4 =	vmmov vm4  }
0x126: {  	vm5 =	vmmov vm5;
	_ =	sdelay $0x1  }
0x127: {  	v3 =	vld.idx.msk [tilespmem:v3+s30+$0x0], vm2  }
0x128: {  	v6 =	vld.idx.msk [tilespmem:v6+s30+$0x0], vm3  }
0x129: {  	[tilespmem:s12+$0xFFFFFFD0] =	vst.add.f32.msk $0xffff, v4  }
0x12a: {  	v0 =	vld.idx.msk [tilespmem:v0+s30+$0x0], vm4  }
0x12b: {  	v2 =	vnsel vm0, $0x0, v2;
	v1 =	vld.idx.msk [tilespmem:v1+s30+$0x0], vm5  }
0x12c: {  	s11 =	sadd.s32 $0x40, s11;
	[tilespmem:s12+$0xFFFFFFE0] =	vst.add.f32.msk $0xffff, v2;
	v3 =	vnsel vm2, $0x0, v3  }
0x12d: {  	v2 =	vnsel vm3, $0x0, v6;
	[tilespmem:s11+$0x0] =	vst.add.f32.msk $0xffff, v3  }
0x12e: {  	v3 =	vnsel vm1, $0x0, v5;
	[tilespmem:s11+$0xFFFFFFD0] =	vst.add.f32.msk $0xffff, v2  }
0x12f: {  	[tilespmem:s12+$0xFFFFFFF0] =	vst.add.f32.msk $0xffff, v3;
	v0 =	vnsel vm4, $0x0, v0  }
0x130: {  	v1 =	vnsel vm5, $0x0, v1;
	[tilespmem:s11+$0xFFFFFFE0] =	vst.add.f32.msk $0xffff, v0  }
0x131: {  	[tilespmem:s11+$0xFFFFFFF0] =	vst.add.f32.msk $0xffff, v1  }
0x132: {  	s3 =	rddreg [dreg:$0xc]  }
0x133: {  	[tilespmem:s30], [sflag:$0x1] =	stream.strided.gather [hbm4b:s3+s28], $0x8280, s29, s28, $0x38;
	[tilespmem:$0x1CD00] =	vst v63  }
0x134: {  	_ =	swait.ge [sflag:s4], $0x8180  }
0x135: {  	[sflag:s4] =	ssyncset.done $0x0  }
0x136: {  	[sflag:s4] =	ssyncadd.s32 $0xFFFF7E80  }
0x137: {  	_ =	swait.ge [sflag:s4], $0x80  }
0x138: {  	[sflag:s4] =	ssyncset.done $0x0  }
0x139: {  	s13 =	simm.s32 $0x20;
	[sflag:s4] =	ssyncadd.s32 $0xFFFFFF80  }
0x13a: {  	v0 =	vld [tilespmem:s13+$0x10]  }
0x13b: {  	v1 =	vld [tilespmem:s13+$0xFFFFFFE0]  }
0x13c: {  	v2 =	vld [tilespmem:s13+$0xFFFFFFF0]  }
0x13d: {  	v3 =	vld [tilespmem:s13+$0x0];
	_ =	sdelay $0x1  }
0x13e: {  	v0 =	vadd.s32 $0xFFFEFB00, v0  }
0x13f: {  	v1 =	vadd.s32 $0xFFFEFB00, v1;
	vm3 =	vlt.u32 v0, $0x81A0  }
0x140: {  	v2 =	vadd.s32 $0xFFFEFB00, v2;
	vm0 =	vlt.u32 v1, $0x81A0  }
0x141: {  	s16 =	simm.s32 $0x60;
	v5 =	vadd.s32 $0xFFFEFB00, v3;
	vm6 =	vmmov vm0;
	vm0 =	vlt.u32 v2, $0x81A0  }
0x142: {  	v4 =	vld [tilespmem:s16+$0x10];
	vm1 =	vlt.u32 v5, $0x81A0;
	vm0 =	vmmov vm0  }
0x143: {  	v7 =	vld [tilespmem:s16+$0xFFFFFFE0];
	vm1 =	vmmov vm1  }
0x144: {  	v8 =	vld [tilespmem:s16+$0x0]  }
0x145: {  	v6 =	vld.idx.msk [tilespmem:v0+s0+$0x0], vm3  }
0x146: {  	v0 =	vld [tilespmem:s16+$0xFFFFFFF0]  }
0x147: {  	v3 =	vadd.s32 $0xFFFEFB00, v4;
	v9 =	vld.idx.msk [tilespmem:v1+s0+$0x0], vm6  }
0x148: {  	vm2 =	vlt.u32 v3, $0x81A0;
	v2 =	vld.idx.msk [tilespmem:v2+s0+$0x0], vm0  }
0x149: {  	v5 =	vld.idx.msk [tilespmem:v5+s0+$0x0], vm1  }
0x14a: {  	v1 =	vadd.s32 $0xFFFEFB00, v8;
	v4 =	vnsel vm3, $0x0, v6;
	v6 =	vadd.s32 $0xFFFEFB00, v7  }
0x14b: {  	s11 =	simm.s32 $0x18530;
	vm5 =	vlt.u32 v1, $0x81A0;
	v0 =	vadd.s32 $0xFFFEFB00, v0;
	vm3 =	vlt.u32 v6, $0x81A0  }
0x14c: {  	s31 =	simm.s32 $0x40;
	s12 =	simm.s32 $0x18530;
	s13 =	simm.s32 $0xA0;
	vm4 =	vlt.u32 v0, $0x81A0;
	[tilespmem:s11+$0x0] =	vst.add.f32.msk $0xffff, v4;
	v4 =	vnsel vm6, $0x0, v9;
	vm3 =	vmmov vm3  }
.LBB2_12:
0x14d: {  	v7 =	vld [tilespmem:s13+$0x10];
	v8 =	vnsel vm0, $0x0, v2;
	vm0 =	vmmov vm4  }
0x14e: {  	s31 =	sadd.s32 $0x40, s31;
	v10 =	vnsel vm1, $0x0, v5;
	vm1 =	vmmov vm5;
	v9 =	vld.idx.msk [tilespmem:v3+s0+$0x0], vm2  }
0x14f: {  	p1 =	slt.u32 s31, $0x3FC0;
	v5 =	vld [tilespmem:s13+$0xFFFFFFF0]  }
0x150: {  	v11 =	vld [tilespmem:s13+$0x0]  }
0x151: {  	v12 =	vld [tilespmem:s13+$0xFFFFFFE0]  }
0x152: {  	v13 =	vld.idx.msk [tilespmem:v6+s0+$0x0], vm3  }
0x153: {  	v3 =	vadd.s32 $0xFFFEFB00, v7;
	v2 =	vld.idx.msk [tilespmem:v0+s0+$0x0], vm4  }
.Ltmp5:
0x154: {  	s11 =	sadd.s32 $0x40, s11;
	v6 =	vnsel vm2, $0x0, v9;
	vm2 =	vlt.u32 v3, $0x81A0;
	v0 =	vadd.s32 $0xFFFEFB00, v5;
	v5 =	vld.idx.msk [tilespmem:v1+s0+$0x0], vm5;
	(pc) =	sbr.rel @p1 .LBB2_12-.Ltmp5, $4  }
0x155: {  	vm4 =	vlt.u32 v0, $0x81A0;
	v1 =	vadd.s32 $0xFFFEFB00, v11;
	[tilespmem:s11+$0x0] =	vst.add.f32.msk $0xffff, v6  }
0x156: {  	v6 =	vadd.s32 $0xFFFEFB00, v12;
	vm5 =	vlt.u32 v1, $0x81A0;
	[tilespmem:s12+$0xFFFFFFD0] =	vst.add.f32.msk $0xffff, v4  }
0x157: {  	vm6 =	vlt.u32 v6, $0x81A0;
	[tilespmem:s12+$0xFFFFFFE0] =	vst.add.f32.msk $0xffff, v8  }
0x158: {  	s13 =	sadd.s32 $0x40, s13;
	v4 =	vnsel vm3, $0x0, v13;
	[tilespmem:s12+$0xFFFFFFF0] =	vst.add.f32.msk $0xffff, v10;
	vm3 =	vmmov vm6;
	s12 =	smov.u32 s11  }
0x159: {  	_ =	sdelay $0x1  }
0x15a: {  	vm4 =	vmmov vm4  }
0x15b: {  	vm5 =	vmmov vm5;
	_ =	sdelay $0x1  }
0x15c: {  	v3 =	vld.idx.msk [tilespmem:v3+s0+$0x0], vm2  }
0x15d: {  	v6 =	vld.idx.msk [tilespmem:v6+s0+$0x0], vm3  }
0x15e: {  	[tilespmem:s12+$0xFFFFFFD0] =	vst.add.f32.msk $0xffff, v4  }
0x15f: {  	v0 =	vld.idx.msk [tilespmem:v0+s0+$0x0], vm4  }
0x160: {  	v2 =	vnsel vm0, $0x0, v2;
	v1 =	vld.idx.msk [tilespmem:v1+s0+$0x0], vm5  }
0x161: {  	s11 =	sadd.s32 $0x40, s11;
	[tilespmem:s12+$0xFFFFFFE0] =	vst.add.f32.msk $0xffff, v2;
	v3 =	vnsel vm2, $0x0, v3  }
0x162: {  	v2 =	vnsel vm3, $0x0, v6;
	[tilespmem:s11+$0x0] =	vst.add.f32.msk $0xffff, v3  }
0x163: {  	v3 =	vnsel vm1, $0x0, v5;
	[tilespmem:s11+$0xFFFFFFD0] =	vst.add.f32.msk $0xffff, v2  }
0x164: {  	[tilespmem:s12+$0xFFFFFFF0] =	vst.add.f32.msk $0xffff, v3;
	v0 =	vnsel vm4, $0x0, v0  }
0x165: {  	v1 =	vnsel vm5, $0x0, v1;
	[tilespmem:s11+$0xFFFFFFE0] =	vst.add.f32.msk $0xffff, v0  }
0x166: {  	[tilespmem:s11+$0xFFFFFFF0] =	vst.add.f32.msk $0xffff, v1  }
0x167: {  	[hbm4b:s21+s28] =	stream.strided.scatter [tilespmem:s7], [sflag:$0x4], $0x4000, s29, s28, $0x38;
	[tilespmem:$0x1CD00] =	vst v63  }
0x168: {  	s3 =	rddreg [dreg:$0xd]  }
0x169: {  	[tilespmem:s0], [sflag:$0x2] =	stream.strided.gather [hbm4b:s3+s28], $0x8280, s29, s28, $0x38;
	[tilespmem:$0x1CD00] =	vst v63  }
0x16a: {  	_ =	swait.ge [sflag:s1], $0x8280  }
0x16b: {  	[sflag:s1] =	ssyncset.done $0x0  }
0x16c: {  	[sflag:s1] =	ssyncadd.s32 $0xFFFF7D80  }
0x16d: {  	[tilespmem:s2], [sflag:$0x5] =	stream.strided.gather [spmem:s26], $0x4000, s14, s28, $0x38;
	[tilespmem:$0x1CD00] =	vst v63  }
0x16e: {  	_ =	swait.ge [sflag:s19], $0x4000  }
0x16f: {  	[sflag:s19] =	ssyncset.done $0x0  }
0x170: {  	[sflag:s19] =	ssyncadd.s32 $0xFFFFC000  }
0x171: {  	_ =	swait.ge [sflag:s8], $0x4000  }
0x172: {  	[sflag:s8] =	ssyncset.done $0x0  }
0x173: {  	s14 =	simm.s32 $0x20;
	[sflag:s8] =	ssyncadd.s32 $0xFFFFC000  }
0x174: {  	v0 =	vld [tilespmem:s14+$0x10]  }
0x175: {  	v1 =	vld [tilespmem:s14+$0xFFFFFFF0]  }
0x176: {  	v2 =	vld [tilespmem:s14+$0x0]  }
0x177: {  	v3 =	vld [tilespmem:s14+$0xFFFFFFE0];
	_ =	sdelay $0x1  }
0x178: {  	vm0 =	vlt.u32 v0, $0x8280  }
0x179: {  	s16 =	simm.s32 $0x60;
	vm1 =	vlt.u32 v1, $0x8280  }
0x17a: {  	v4 =	vld [tilespmem:s16+$0x10];
	vm2 =	vlt.u32 v2, $0x8280  }
0x17b: {  	v5 =	vld [tilespmem:s16+$0xFFFFFFF0];
	vm3 =	vlt.u32 v3, $0x8280  }
0x17c: {  	v6 =	vld [tilespmem:s16+$0x0]  }
0x17d: {  	v8 =	vld [tilespmem:s16+$0xFFFFFFE0]  }
0x17e: {  	v7 =	vld.idx.msk [tilespmem:v0+s30+$0x0], vm0  }
0x17f: {  	vm4 =	vlt.u32 v4, $0x8280;
	v9 =	vld.idx.msk [tilespmem:v1+s30+$0x0], vm1  }
0x180: {  	v10 =	vld.idx.msk [tilespmem:v2+s30+$0x0], vm2  }
0x181: {  	s31 =	simm.s32 $0xA0;
	vm5 =	vlt.u32 v5, $0x8280;
	v11 =	vld.idx.msk [tilespmem:v3+s30+$0x0], vm3  }
0x182: {  	vm6 =	vlt.u32 v6, $0x8280;
	v2 =	vld [tilespmem:s31+$0x10]  }
0x183: {  	vm7 =	vlt.u32 v8, $0x8280;
	v1 =	vld [tilespmem:s31+$0xFFFFFFF0]  }
0x184: {  	vm0 =	vmmov vm0;
	v0 =	vld [tilespmem:s31+$0x0]  }
0x185: {  	s11 =	simm.s32 $0x14520;
	vm1 =	vmmov vm1;
	v4 =	vld.idx.msk [tilespmem:v4+s30+$0x0], vm4;
	v3 =	vnsel vm0, $0x0, v7  }
0x186: {  	vm8 =	vmmov vm3;
	vm2 =	vmmov vm2;
	v7 =	vnsel vm1, $0x0, v9;
	[tilespmem:s11+$0x10] =	vst v3;
	v3 =	vld [tilespmem:s31+$0xFFFFFFE0]  }
0x187: {  	vm3 =	vmmov vm4;
	v5 =	vld.idx.msk [tilespmem:v5+s30+$0x0], vm5;
	vm4 =	vmmov vm7;
	v63 =	vnsel vm8, $0x0, v11;
	[tilespmem:s11+$0xFFFFFFF0] =	vst v7  }
0x188: {  	v6 =	vld.idx.msk [tilespmem:v6+s30+$0x0], vm6;
	vm0 =	vmmov vm5;
	vm1 =	vmmov vm6;
	v7 =	vnsel vm2, $0x0, v10;
	[tilespmem:s11+$0xFFFFFFE0] =	vst v63  }
0x189: {  	s13 =	simm.s32 $0xE0;
	s12 =	simm.s32 $0x80;
	vm5 =	vlt.u32 v2, $0x8280;
	vm6 =	vlt.u32 v1, $0x8280;
	vm2 =	vlt.u32 v0, $0x8280;
	[tilespmem:s11+$0x0] =	vst v7;
	v7 =	vld.idx.msk [tilespmem:v8+s30+$0x0], vm7  }
.LBB2_14:
0x18a: {  	v8 =	vld [tilespmem:s13+$0x10];
	s12 =	sadd.s32 $0x40, s12  }
0x18b: {  	v4 =	vnsel vm3, $0x0, v4;
	s11 =	sadd.s32 $0x40, s11;
	vm3 =	vmmov vm5;
	v9 =	vld [tilespmem:s13+$0xFFFFFFF0];
	p1 =	slt.u32 s12, $0x3FC0;
	vm7 =	vlt.u32 v3, $0x8280;
	v10 =	vmovc v3  }
0x18c: {  	v11 =	vld [tilespmem:s13+$0x0];
	[tilespmem:s11+$0x10] =	vst v4  }
.Ltmp6:
0x18d: {  	v12 =	vnsel vm0, $0x0, v5;
	vm0 =	vmmov vm6;
	v4 =	vld.idx.msk [tilespmem:v2+s30+$0x0], vm5;
	(pc) =	sbr.rel @p1 .LBB2_14-.Ltmp6, $4  }
0x18e: {  	v6 =	vnsel vm1, $0x0, v6;
	vm1 =	vmmov vm2;
	v3 =	vld [tilespmem:s13+$0xFFFFFFE0];
	[tilespmem:s11+$0xFFFFFFF0] =	vst v12  }
0x18f: {  	v7 =	vnsel vm4, $0x0, v7;
	vm4 =	vmmov vm7;
	vm5 =	vlt.u32 v8, $0x8280;
	v5 =	vld.idx.msk [tilespmem:v1+s30+$0x0], vm6;
	[tilespmem:s11+$0x0] =	vst v6;
	v2 =	vmovc v8  }
0x190: {  	vm6 =	vlt.u32 v9, $0x8280;
	v6 =	vld.idx.msk [tilespmem:v0+s30+$0x0], vm2;
	[tilespmem:s11+$0xFFFFFFE0] =	vst v7;
	v1 =	vmov v9  }
0x191: {  	s13 =	sadd.s32 $0x40, s13;
	vm2 =	vlt.u32 v11, $0x8280;
	v7 =	vld.idx.msk [tilespmem:v10+s30+$0x0], vm7;
	v0 =	vmov v11  }
0x192: {  	_ =	sdelay $0x1  }
0x193: {  	vm7 =	vlt.u32 v3, $0x8280;
	_ =	sdelay $0x2  }
0x194: {  	v2 =	vld.idx.msk [tilespmem:v2+s30+$0x0], vm5  }
0x195: {  	v4 =	vnsel vm3, $0x0, v4;
	s11 =	sadd.s32 $0x40, s11;
	v1 =	vld.idx.msk [tilespmem:v1+s30+$0x0], vm6  }
0x196: {  	v0 =	vld.idx.msk [tilespmem:v0+s30+$0x0], vm2;
	[tilespmem:s11+$0x10] =	vst v4;
	v4 =	vnsel vm0, $0x0, v5  }
0x197: {  	[tilespmem:s11+$0xFFFFFFF0] =	vst v4;
	v4 =	vnsel vm1, $0x0, v6;
	v3 =	vld.idx.msk [tilespmem:v3+s30+$0x0], vm7  }
0x198: {  	vm0 =	vmmov vm5;
	v5 =	vnsel vm4, $0x0, v7;
	[tilespmem:s11+$0x0] =	vst v4  }
0x199: {  	vm1 =	vmmov vm6;
	[tilespmem:s11+$0xFFFFFFE0] =	vst v5;
	v2 =	vnsel vm0, $0x0, v2;
	s11 =	sadd.s32 $0x40, s11  }
0x19a: {  	vm0 =	vmmov vm2;
	v1 =	vnsel vm1, $0x0, v1;
	[tilespmem:s11+$0x10] =	vst v2  }
0x19b: {  	vm1 =	vmmov vm7;
	[tilespmem:s11+$0xFFFFFFF0] =	vst v1;
	v0 =	vnsel vm0, $0x0, v0  }
0x19c: {  	[tilespmem:s11+$0x0] =	vst v0;
	v1 =	vnsel vm1, $0x0, v3  }
0x19d: {  	[tilespmem:s11+$0xFFFFFFE0] =	vst v1  }
0x19e: {  	s3 =	rddreg [dreg:$0xe]  }
0x19f: {  	[tilespmem:s30], [sflag:$0x1] =	stream.strided.gather [hbm4b:s3+s28], $0x8180, s29, s28, $0x38;
	[tilespmem:$0x1CD00] =	vst v63  }
0x1a0: {  	_ = 	snop  }
0x1a1: {  	[tilespmem:s15], [sflag:$0x1] =	stream.linear.gather [hbm4b:s17+s2], $0x80, $0x38;
	[tilespmem:$0x1CD00] =	vst v63  }
0x1a2: {  	_ =	swait.ge [sflag:s4], $0x8280  }
0x1a3: {  	[sflag:s4] =	ssyncset.done $0x0  }
0x1a4: {  	s15 =	simm.s32 $0x20;
	[sflag:s4] =	ssyncadd.s32 $0xFFFF7D80  }
0x1a5: {  	v0 =	vld [tilespmem:s15+$0x10]  }
0x1a6: {  	v1 =	vld [tilespmem:s15+$0xFFFFFFE0]  }
0x1a7: {  	v2 =	vld [tilespmem:s15+$0xFFFFFFF0]  }
0x1a8: {  	v3 =	vld [tilespmem:s15+$0x0];
	_ =	sdelay $0x1  }
0x1a9: {  	v0 =	vadd.s32 $0xFFFF7D80, v0  }
0x1aa: {  	v1 =	vadd.s32 $0xFFFF7D80, v1;
	vm3 =	vlt.u32 v0, $0x8280  }
0x1ab: {  	v2 =	vadd.s32 $0xFFFF7D80, v2;
	vm0 =	vlt.u32 v1, $0x8280  }
0x1ac: {  	s16 =	simm.s32 $0x60;
	v5 =	vadd.s32 $0xFFFF7D80, v3;
	vm6 =	vmmov vm0;
	vm0 =	vlt.u32 v2, $0x8280  }
0x1ad: {  	v4 =	vld [tilespmem:s16+$0x10];
	vm1 =	vlt.u32 v5, $0x8280;
	vm0 =	vmmov vm0  }
0x1ae: {  	v7 =	vld [tilespmem:s16+$0xFFFFFFE0];
	vm1 =	vmmov vm1  }
0x1af: {  	v8 =	vld [tilespmem:s16+$0x0]  }
0x1b0: {  	v6 =	vld.idx.msk [tilespmem:v0+s0+$0x0], vm3  }
0x1b1: {  	v0 =	vld [tilespmem:s16+$0xFFFFFFF0]  }
0x1b2: {  	v3 =	vadd.s32 $0xFFFF7D80, v4;
	v9 =	vld.idx.msk [tilespmem:v1+s0+$0x0], vm6  }
0x1b3: {  	vm2 =	vlt.u32 v3, $0x8280;
	v2 =	vld.idx.msk [tilespmem:v2+s0+$0x0], vm0  }
0x1b4: {  	v5 =	vld.idx.msk [tilespmem:v5+s0+$0x0], vm1  }
0x1b5: {  	v1 =	vadd.s32 $0xFFFF7D80, v8;
	v4 =	vnsel vm3, $0x0, v6;
	v6 =	vadd.s32 $0xFFFF7D80, v7  }
0x1b6: {  	s11 =	simm.s32 $0x14530;
	vm5 =	vlt.u32 v1, $0x8280;
	v0 =	vadd.s32 $0xFFFF7D80, v0;
	vm3 =	vlt.u32 v6, $0x8280  }
0x1b7: {  	s31 =	simm.s32 $0x40;
	s13 =	simm.s32 $0xA0;
	s12 =	simm.s32 $0x14530;
	vm4 =	vlt.u32 v0, $0x8280;
	[tilespmem:s11+$0x0] =	vst.add.f32.msk $0xffff, v4;
	v4 =	vnsel vm6, $0x0, v9;
	vm3 =	vmmov vm3  }
.LBB2_16:
0x1b8: {  	v7 =	vld [tilespmem:s13+$0x10];
	v8 =	vnsel vm0, $0x0, v2;
	vm0 =	vmmov vm4  }
0x1b9: {  	s31 =	sadd.s32 $0x40, s31;
	v10 =	vnsel vm1, $0x0, v5;
	vm1 =	vmmov vm5;
	v9 =	vld.idx.msk [tilespmem:v3+s0+$0x0], vm2  }
0x1ba: {  	p1 =	slt.u32 s31, $0x3FC0;
	v5 =	vld [tilespmem:s13+$0xFFFFFFF0]  }
0x1bb: {  	v11 =	vld [tilespmem:s13+$0x0]  }
0x1bc: {  	v12 =	vld [tilespmem:s13+$0xFFFFFFE0]  }
0x1bd: {  	v13 =	vld.idx.msk [tilespmem:v6+s0+$0x0], vm3  }
0x1be: {  	v3 =	vadd.s32 $0xFFFF7D80, v7;
	v2 =	vld.idx.msk [tilespmem:v0+s0+$0x0], vm4  }
.Ltmp7:
0x1bf: {  	s11 =	sadd.s32 $0x40, s11;
	v6 =	vnsel vm2, $0x0, v9;
	vm2 =	vlt.u32 v3, $0x8280;
	v0 =	vadd.s32 $0xFFFF7D80, v5;
	v5 =	vld.idx.msk [tilespmem:v1+s0+$0x0], vm5;
	(pc) =	sbr.rel @p1 .LBB2_16-.Ltmp7, $4  }
0x1c0: {  	vm4 =	vlt.u32 v0, $0x8280;
	v1 =	vadd.s32 $0xFFFF7D80, v11;
	[tilespmem:s11+$0x0] =	vst.add.f32.msk $0xffff, v6  }
0x1c1: {  	v6 =	vadd.s32 $0xFFFF7D80, v12;
	vm5 =	vlt.u32 v1, $0x8280;
	[tilespmem:s12+$0xFFFFFFD0] =	vst.add.f32.msk $0xffff, v4  }
0x1c2: {  	vm6 =	vlt.u32 v6, $0x8280;
	[tilespmem:s12+$0xFFFFFFE0] =	vst.add.f32.msk $0xffff, v8  }
0x1c3: {  	s13 =	sadd.s32 $0x40, s13;
	v4 =	vnsel vm3, $0x0, v13;
	[tilespmem:s12+$0xFFFFFFF0] =	vst.add.f32.msk $0xffff, v10;
	vm3 =	vmmov vm6;
	s12 =	smov.u32 s11  }
0x1c4: {  	_ =	sdelay $0x1  }
0x1c5: {  	vm4 =	vmmov vm4  }
0x1c6: {  	vm5 =	vmmov vm5;
	_ =	sdelay $0x1  }
0x1c7: {  	v3 =	vld.idx.msk [tilespmem:v3+s0+$0x0], vm2  }
0x1c8: {  	v6 =	vld.idx.msk [tilespmem:v6+s0+$0x0], vm3  }
0x1c9: {  	[tilespmem:s12+$0xFFFFFFD0] =	vst.add.f32.msk $0xffff, v4  }
0x1ca: {  	v0 =	vld.idx.msk [tilespmem:v0+s0+$0x0], vm4  }
0x1cb: {  	v2 =	vnsel vm0, $0x0, v2;
	v1 =	vld.idx.msk [tilespmem:v1+s0+$0x0], vm5  }
0x1cc: {  	s11 =	sadd.s32 $0x40, s11;
	[tilespmem:s12+$0xFFFFFFE0] =	vst.add.f32.msk $0xffff, v2;
	v3 =	vnsel vm2, $0x0, v3  }
0x1cd: {  	v2 =	vnsel vm3, $0x0, v6;
	[tilespmem:s11+$0x0] =	vst.add.f32.msk $0xffff, v3  }
0x1ce: {  	v3 =	vnsel vm1, $0x0, v5;
	[tilespmem:s11+$0xFFFFFFD0] =	vst.add.f32.msk $0xffff, v2  }
0x1cf: {  	[tilespmem:s12+$0xFFFFFFF0] =	vst.add.f32.msk $0xffff, v3;
	v0 =	vnsel vm4, $0x0, v0  }
0x1d0: {  	v1 =	vnsel vm5, $0x0, v1;
	[tilespmem:s11+$0xFFFFFFE0] =	vst.add.f32.msk $0xffff, v0  }
0x1d1: {  	[tilespmem:s11+$0xFFFFFFF0] =	vst.add.f32.msk $0xffff, v1  }
0x1d2: {  	s3 =	rddreg [dreg:$0xf]  }
0x1d3: {  	[tilespmem:s0], [sflag:$0x2] =	stream.strided.gather [hbm4b:s3+s28], $0x8280, s29, s28, $0x38;
	[tilespmem:$0x1CD00] =	vst v63  }
0x1d4: {  	_ =	swait.ge [sflag:s1], $0x8180  }
0x1d5: {  	[sflag:s1] =	ssyncset.done $0x0  }
0x1d6: {  	[sflag:s1] =	ssyncadd.s32 $0xFFFF7E80  }
0x1d7: {  	_ =	swait.ge [sflag:s1], $0x80  }
0x1d8: {  	[sflag:s1] =	ssyncset.done $0x0  }
0x1d9: {  	s15 =	simm.s32 $0x20;
	[sflag:s1] =	ssyncadd.s32 $0xFFFFFF80  }
0x1da: {  	v0 =	vld [tilespmem:s15+$0x10]  }
0x1db: {  	v1 =	vld [tilespmem:s15+$0xFFFFFFE0]  }
0x1dc: {  	v2 =	vld [tilespmem:s15+$0xFFFFFFF0]  }
0x1dd: {  	v3 =	vld [tilespmem:s15+$0x0];
	_ =	sdelay $0x1  }
0x1de: {  	v0 =	vadd.s32 $0xFFFEFB00, v0  }
0x1df: {  	v1 =	vadd.s32 $0xFFFEFB00, v1;
	vm3 =	vlt.u32 v0, $0x81A0  }
0x1e0: {  	v2 =	vadd.s32 $0xFFFEFB00, v2;
	vm0 =	vlt.u32 v1, $0x81A0  }
0x1e1: {  	s16 =	simm.s32 $0x60;
	v5 =	vadd.s32 $0xFFFEFB00, v3;
	vm6 =	vmmov vm0;
	vm0 =	vlt.u32 v2, $0x81A0  }
0x1e2: {  	v4 =	vld [tilespmem:s16+$0x10];
	vm1 =	vlt.u32 v5, $0x81A0;
	vm0 =	vmmov vm0  }
0x1e3: {  	v7 =	vld [tilespmem:s16+$0xFFFFFFE0];
	vm1 =	vmmov vm1  }
0x1e4: {  	v8 =	vld [tilespmem:s16+$0x0]  }
0x1e5: {  	v6 =	vld.idx.msk [tilespmem:v0+s30+$0x0], vm3  }
0x1e6: {  	v0 =	vld [tilespmem:s16+$0xFFFFFFF0]  }
0x1e7: {  	v3 =	vadd.s32 $0xFFFEFB00, v4;
	v9 =	vld.idx.msk [tilespmem:v1+s30+$0x0], vm6  }
0x1e8: {  	vm2 =	vlt.u32 v3, $0x81A0;
	v2 =	vld.idx.msk [tilespmem:v2+s30+$0x0], vm0  }
0x1e9: {  	v5 =	vld.idx.msk [tilespmem:v5+s30+$0x0], vm1  }
0x1ea: {  	v1 =	vadd.s32 $0xFFFEFB00, v8;
	v4 =	vnsel vm3, $0x0, v6;
	v6 =	vadd.s32 $0xFFFEFB00, v7  }
0x1eb: {  	s11 =	simm.s32 $0x14530;
	vm5 =	vlt.u32 v1, $0x81A0;
	v0 =	vadd.s32 $0xFFFEFB00, v0;
	vm3 =	vlt.u32 v6, $0x81A0  }
0x1ec: {  	s31 =	simm.s32 $0x40;
	s13 =	simm.s32 $0xA0;
	s12 =	simm.s32 $0x14530;
	vm4 =	vlt.u32 v0, $0x81A0;
	[tilespmem:s11+$0x0] =	vst.add.f32.msk $0xffff, v4;
	v4 =	vnsel vm6, $0x0, v9;
	vm3 =	vmmov vm3  }
.LBB2_18:
0x1ed: {  	v7 =	vld [tilespmem:s13+$0x10];
	v8 =	vnsel vm0, $0x0, v2;
	vm0 =	vmmov vm4  }
0x1ee: {  	s31 =	sadd.s32 $0x40, s31;
	v10 =	vnsel vm1, $0x0, v5;
	vm1 =	vmmov vm5;
	v9 =	vld.idx.msk [tilespmem:v3+s30+$0x0], vm2  }
0x1ef: {  	p1 =	slt.u32 s31, $0x3FC0;
	v5 =	vld [tilespmem:s13+$0xFFFFFFF0]  }
0x1f0: {  	v11 =	vld [tilespmem:s13+$0x0]  }
0x1f1: {  	v12 =	vld [tilespmem:s13+$0xFFFFFFE0]  }
0x1f2: {  	v13 =	vld.idx.msk [tilespmem:v6+s30+$0x0], vm3  }
0x1f3: {  	v3 =	vadd.s32 $0xFFFEFB00, v7;
	v2 =	vld.idx.msk [tilespmem:v0+s30+$0x0], vm4  }
.Ltmp8:
0x1f4: {  	s11 =	sadd.s32 $0x40, s11;
	v6 =	vnsel vm2, $0x0, v9;
	vm2 =	vlt.u32 v3, $0x81A0;
	v0 =	vadd.s32 $0xFFFEFB00, v5;
	v5 =	vld.idx.msk [tilespmem:v1+s30+$0x0], vm5;
	(pc) =	sbr.rel @p1 .LBB2_18-.Ltmp8, $4  }
0x1f5: {  	vm4 =	vlt.u32 v0, $0x81A0;
	v1 =	vadd.s32 $0xFFFEFB00, v11;
	[tilespmem:s11+$0x0] =	vst.add.f32.msk $0xffff, v6  }
0x1f6: {  	v6 =	vadd.s32 $0xFFFEFB00, v12;
	vm5 =	vlt.u32 v1, $0x81A0;
	[tilespmem:s12+$0xFFFFFFD0] =	vst.add.f32.msk $0xffff, v4  }
0x1f7: {  	vm6 =	vlt.u32 v6, $0x81A0;
	[tilespmem:s12+$0xFFFFFFE0] =	vst.add.f32.msk $0xffff, v8  }
0x1f8: {  	s13 =	sadd.s32 $0x40, s13;
	v4 =	vnsel vm3, $0x0, v13;
	[tilespmem:s12+$0xFFFFFFF0] =	vst.add.f32.msk $0xffff, v10;
	vm3 =	vmmov vm6;
	s12 =	smov.u32 s11  }
0x1f9: {  	_ =	sdelay $0x1  }
0x1fa: {  	vm4 =	vmmov vm4  }
0x1fb: {  	vm5 =	vmmov vm5;
	_ =	sdelay $0x1  }
0x1fc: {  	v3 =	vld.idx.msk [tilespmem:v3+s30+$0x0], vm2  }
0x1fd: {  	v6 =	vld.idx.msk [tilespmem:v6+s30+$0x0], vm3  }
0x1fe: {  	[tilespmem:s12+$0xFFFFFFD0] =	vst.add.f32.msk $0xffff, v4  }
0x1ff: {  	v0 =	vld.idx.msk [tilespmem:v0+s30+$0x0], vm4  }
0x200: {  	v2 =	vnsel vm0, $0x0, v2;
	v1 =	vld.idx.msk [tilespmem:v1+s30+$0x0], vm5  }
0x201: {  	s11 =	sadd.s32 $0x40, s11;
	[tilespmem:s12+$0xFFFFFFE0] =	vst.add.f32.msk $0xffff, v2;
	v3 =	vnsel vm2, $0x0, v3  }
0x202: {  	v2 =	vnsel vm3, $0x0, v6;
	[tilespmem:s11+$0x0] =	vst.add.f32.msk $0xffff, v3  }
0x203: {  	v3 =	vnsel vm1, $0x0, v5;
	[tilespmem:s11+$0xFFFFFFD0] =	vst.add.f32.msk $0xffff, v2  }
0x204: {  	[tilespmem:s12+$0xFFFFFFF0] =	vst.add.f32.msk $0xffff, v3;
	v0 =	vnsel vm4, $0x0, v0  }
0x205: {  	v1 =	vnsel vm5, $0x0, v1;
	[tilespmem:s11+$0xFFFFFFE0] =	vst.add.f32.msk $0xffff, v0  }
0x206: {  	[tilespmem:s11+$0xFFFFFFF0] =	vst.add.f32.msk $0xffff, v1  }
0x207: {  	[hbm4b:s22+s28] =	stream.strided.scatter [tilespmem:s5], [sflag:$0x3], $0x4000, s29, s28, $0x38;
	[tilespmem:$0x1CD00] =	vst v63  }
0x208: {  	s3 =	rddreg [dreg:$0x10]  }
0x209: {  	[tilespmem:s30], [sflag:$0x1] =	stream.strided.gather [hbm4b:s3+s28], $0x8280, s29, s28, $0x38;
	[tilespmem:$0x1CD00] =	vst v63  }
0x20a: {  	_ =	swait.ge [sflag:s4], $0x8280  }
0x20b: {  	[sflag:s4] =	ssyncset.done $0x0  }
0x20c: {  	[sflag:s4] =	ssyncadd.s32 $0xFFFF7D80  }
0x20d: {  	_ =	swait.ge [sflag:s9], $0x4000  }
0x20e: {  	[sflag:s9] =	ssyncset.done $0x0  }
0x20f: {  	s15 =	simm.s32 $0x20;
	[sflag:s9] =	ssyncadd.s32 $0xFFFFC000  }
0x210: {  	v0 =	vld [tilespmem:s15+$0x10]  }
0x211: {  	v1 =	vld [tilespmem:s15+$0xFFFFFFF0]  }
0x212: {  	v2 =	vld [tilespmem:s15+$0x0]  }
0x213: {  	v3 =	vld [tilespmem:s15+$0xFFFFFFE0];
	_ =	sdelay $0x1  }
0x214: {  	vm0 =	vlt.u32 v0, $0x8280  }
0x215: {  	s16 =	simm.s32 $0x60;
	vm1 =	vlt.u32 v1, $0x8280  }
0x216: {  	v4 =	vld [tilespmem:s16+$0x10];
	vm2 =	vlt.u32 v2, $0x8280  }
0x217: {  	v5 =	vld [tilespmem:s16+$0xFFFFFFF0];
	vm3 =	vlt.u32 v3, $0x8280  }
0x218: {  	v6 =	vld [tilespmem:s16+$0x0]  }
0x219: {  	v8 =	vld [tilespmem:s16+$0xFFFFFFE0]  }
0x21a: {  	v7 =	vld.idx.msk [tilespmem:v0+s0+$0x0], vm0  }
0x21b: {  	vm4 =	vlt.u32 v4, $0x8280;
	v9 =	vld.idx.msk [tilespmem:v1+s0+$0x0], vm1  }
0x21c: {  	v10 =	vld.idx.msk [tilespmem:v2+s0+$0x0], vm2  }
0x21d: {  	s31 =	simm.s32 $0xA0;
	vm5 =	vlt.u32 v5, $0x8280;
	v11 =	vld.idx.msk [tilespmem:v3+s0+$0x0], vm3  }
0x21e: {  	vm6 =	vlt.u32 v6, $0x8280;
	v2 =	vld [tilespmem:s31+$0x10]  }
0x21f: {  	vm7 =	vlt.u32 v8, $0x8280;
	v1 =	vld [tilespmem:s31+$0xFFFFFFF0]  }
0x220: {  	vm0 =	vmmov vm0;
	v0 =	vld [tilespmem:s31+$0x0]  }
0x221: {  	s11 =	simm.s32 $0x18520;
	vm1 =	vmmov vm1;
	v4 =	vld.idx.msk [tilespmem:v4+s0+$0x0], vm4;
	v3 =	vnsel vm0, $0x0, v7  }
0x222: {  	vm8 =	vmmov vm3;
	vm2 =	vmmov vm2;
	v7 =	vnsel vm1, $0x0, v9;
	[tilespmem:s11+$0x10] =	vst v3;
	v3 =	vld [tilespmem:s31+$0xFFFFFFE0]  }
0x223: {  	vm3 =	vmmov vm4;
	v5 =	vld.idx.msk [tilespmem:v5+s0+$0x0], vm5;
	vm4 =	vmmov vm7;
	v63 =	vnsel vm8, $0x0, v11;
	[tilespmem:s11+$0xFFFFFFF0] =	vst v7  }
0x224: {  	v6 =	vld.idx.msk [tilespmem:v6+s0+$0x0], vm6;
	vm0 =	vmmov vm5;
	vm1 =	vmmov vm6;
	v7 =	vnsel vm2, $0x0, v10;
	[tilespmem:s11+$0xFFFFFFE0] =	vst v63  }
0x225: {  	s13 =	simm.s32 $0xE0;
	s12 =	simm.s32 $0x80;
	vm5 =	vlt.u32 v2, $0x8280;
	vm6 =	vlt.u32 v1, $0x8280;
	vm2 =	vlt.u32 v0, $0x8280;
	[tilespmem:s11+$0x0] =	vst v7;
	v7 =	vld.idx.msk [tilespmem:v8+s0+$0x0], vm7  }
.LBB2_20:
0x226: {  	v8 =	vld [tilespmem:s13+$0x10];
	s12 =	sadd.s32 $0x40, s12  }
0x227: {  	v4 =	vnsel vm3, $0x0, v4;
	s11 =	sadd.s32 $0x40, s11;
	vm3 =	vmmov vm5;
	v9 =	vld [tilespmem:s13+$0xFFFFFFF0];
	p1 =	slt.u32 s12, $0x3FC0;
	vm7 =	vlt.u32 v3, $0x8280;
	v10 =	vmovc v3  }
0x228: {  	v11 =	vld [tilespmem:s13+$0x0];
	[tilespmem:s11+$0x10] =	vst v4  }
.Ltmp9:
0x229: {  	v12 =	vnsel vm0, $0x0, v5;
	vm0 =	vmmov vm6;
	v4 =	vld.idx.msk [tilespmem:v2+s0+$0x0], vm5;
	(pc) =	sbr.rel @p1 .LBB2_20-.Ltmp9, $4  }
0x22a: {  	v6 =	vnsel vm1, $0x0, v6;
	vm1 =	vmmov vm2;
	v3 =	vld [tilespmem:s13+$0xFFFFFFE0];
	[tilespmem:s11+$0xFFFFFFF0] =	vst v12  }
0x22b: {  	v7 =	vnsel vm4, $0x0, v7;
	vm4 =	vmmov vm7;
	vm5 =	vlt.u32 v8, $0x8280;
	v5 =	vld.idx.msk [tilespmem:v1+s0+$0x0], vm6;
	[tilespmem:s11+$0x0] =	vst v6;
	v2 =	vmovc v8  }
0x22c: {  	vm6 =	vlt.u32 v9, $0x8280;
	v6 =	vld.idx.msk [tilespmem:v0+s0+$0x0], vm2;
	[tilespmem:s11+$0xFFFFFFE0] =	vst v7;
	v1 =	vmov v9  }
0x22d: {  	s13 =	sadd.s32 $0x40, s13;
	vm2 =	vlt.u32 v11, $0x8280;
	v7 =	vld.idx.msk [tilespmem:v10+s0+$0x0], vm7;
	v0 =	vmov v11  }
0x22e: {  	_ =	sdelay $0x1  }
0x22f: {  	vm7 =	vlt.u32 v3, $0x8280;
	_ =	sdelay $0x2  }
0x230: {  	v2 =	vld.idx.msk [tilespmem:v2+s0+$0x0], vm5  }
0x231: {  	v4 =	vnsel vm3, $0x0, v4;
	s11 =	sadd.s32 $0x40, s11;
	v1 =	vld.idx.msk [tilespmem:v1+s0+$0x0], vm6  }
0x232: {  	v0 =	vld.idx.msk [tilespmem:v0+s0+$0x0], vm2;
	[tilespmem:s11+$0x10] =	vst v4;
	v4 =	vnsel vm0, $0x0, v5  }
0x233: {  	[tilespmem:s11+$0xFFFFFFF0] =	vst v4;
	v4 =	vnsel vm1, $0x0, v6;
	v3 =	vld.idx.msk [tilespmem:v3+s0+$0x0], vm7  }
0x234: {  	vm0 =	vmmov vm5;
	v5 =	vnsel vm4, $0x0, v7;
	[tilespmem:s11+$0x0] =	vst v4  }
0x235: {  	vm1 =	vmmov vm6;
	[tilespmem:s11+$0xFFFFFFE0] =	vst v5;
	v2 =	vnsel vm0, $0x0, v2;
	s11 =	sadd.s32 $0x40, s11  }
0x236: {  	vm0 =	vmmov vm2;
	v1 =	vnsel vm1, $0x0, v1;
	[tilespmem:s11+$0x10] =	vst v2  }
0x237: {  	vm1 =	vmmov vm7;
	[tilespmem:s11+$0xFFFFFFF0] =	vst v1;
	v0 =	vnsel vm0, $0x0, v0  }
0x238: {  	[tilespmem:s11+$0x0] =	vst v0;
	v1 =	vnsel vm1, $0x0, v3  }
0x239: {  	[tilespmem:s11+$0xFFFFFFE0] =	vst v1  }
0x23a: {  	s3 =	rddreg [dreg:$0x11]  }
0x23b: {  	[tilespmem:s0], [sflag:$0x2] =	stream.strided.gather [hbm4b:s3+s28], $0x8180, s29, s28, $0x38;
	[tilespmem:$0x1CD00] =	vst v63  }
0x23c: {  	_ = 	snop  }
0x23d: {  	[tilespmem:s6], [sflag:$0x2] =	stream.linear.gather [hbm4b:s18+s2], $0x80, $0x38;
	[tilespmem:$0x1CD00] =	vst v63  }
0x23e: {  	_ =	swait.ge [sflag:s1], $0x8280  }
0x23f: {  	[sflag:s1] =	ssyncset.done $0x0  }
0x240: {  	s15 =	simm.s32 $0x20;
	[sflag:s1] =	ssyncadd.s32 $0xFFFF7D80  }
0x241: {  	v0 =	vld [tilespmem:s15+$0x10]  }
0x242: {  	v1 =	vld [tilespmem:s15+$0xFFFFFFE0]  }
0x243: {  	v2 =	vld [tilespmem:s15+$0xFFFFFFF0]  }
0x244: {  	v3 =	vld [tilespmem:s15+$0x0];
	_ =	sdelay $0x1  }
0x245: {  	v0 =	vadd.s32 $0xFFFF7D80, v0  }
0x246: {  	v1 =	vadd.s32 $0xFFFF7D80, v1;
	vm3 =	vlt.u32 v0, $0x8280  }
0x247: {  	v2 =	vadd.s32 $0xFFFF7D80, v2;
	vm0 =	vlt.u32 v1, $0x8280  }
0x248: {  	s16 =	simm.s32 $0x60;
	v5 =	vadd.s32 $0xFFFF7D80, v3;
	vm6 =	vmmov vm0;
	vm0 =	vlt.u32 v2, $0x8280  }
0x249: {  	v4 =	vld [tilespmem:s16+$0x10];
	vm1 =	vlt.u32 v5, $0x8280;
	vm0 =	vmmov vm0  }
0x24a: {  	v7 =	vld [tilespmem:s16+$0xFFFFFFE0];
	vm1 =	vmmov vm1  }
0x24b: {  	v8 =	vld [tilespmem:s16+$0x0]  }
0x24c: {  	v6 =	vld.idx.msk [tilespmem:v0+s30+$0x0], vm3  }
0x24d: {  	v0 =	vld [tilespmem:s16+$0xFFFFFFF0]  }
0x24e: {  	v3 =	vadd.s32 $0xFFFF7D80, v4;
	v9 =	vld.idx.msk [tilespmem:v1+s30+$0x0], vm6  }
0x24f: {  	vm2 =	vlt.u32 v3, $0x8280;
	v2 =	vld.idx.msk [tilespmem:v2+s30+$0x0], vm0  }
0x250: {  	v5 =	vld.idx.msk [tilespmem:v5+s30+$0x0], vm1  }
0x251: {  	v1 =	vadd.s32 $0xFFFF7D80, v8;
	v4 =	vnsel vm3, $0x0, v6;
	v6 =	vadd.s32 $0xFFFF7D80, v7  }
0x252: {  	s11 =	simm.s32 $0x18530;
	vm5 =	vlt.u32 v1, $0x8280;
	v0 =	vadd.s32 $0xFFFF7D80, v0;
	vm3 =	vlt.u32 v6, $0x8280  }
0x253: {  	s31 =	simm.s32 $0x40;
	s13 =	simm.s32 $0xA0;
	s12 =	simm.s32 $0x18530;
	vm4 =	vlt.u32 v0, $0x8280;
	[tilespmem:s11+$0x0] =	vst.add.f32.msk $0xffff, v4;
	v4 =	vnsel vm6, $0x0, v9;
	vm3 =	vmmov vm3  }
.LBB2_22:
0x254: {  	v7 =	vld [tilespmem:s13+$0x10];
	v8 =	vnsel vm0, $0x0, v2;
	vm0 =	vmmov vm4  }
0x255: {  	s31 =	sadd.s32 $0x40, s31;
	v10 =	vnsel vm1, $0x0, v5;
	vm1 =	vmmov vm5;
	v9 =	vld.idx.msk [tilespmem:v3+s30+$0x0], vm2  }
0x256: {  	p1 =	slt.u32 s31, $0x3FC0;
	v5 =	vld [tilespmem:s13+$0xFFFFFFF0]  }
0x257: {  	v11 =	vld [tilespmem:s13+$0x0]  }
0x258: {  	v12 =	vld [tilespmem:s13+$0xFFFFFFE0]  }
0x259: {  	v13 =	vld.idx.msk [tilespmem:v6+s30+$0x0], vm3  }
0x25a: {  	v3 =	vadd.s32 $0xFFFF7D80, v7;
	v2 =	vld.idx.msk [tilespmem:v0+s30+$0x0], vm4  }
.Ltmp10:
0x25b: {  	s11 =	sadd.s32 $0x40, s11;
	v6 =	vnsel vm2, $0x0, v9;
	vm2 =	vlt.u32 v3, $0x8280;
	v0 =	vadd.s32 $0xFFFF7D80, v5;
	v5 =	vld.idx.msk [tilespmem:v1+s30+$0x0], vm5;
	(pc) =	sbr.rel @p1 .LBB2_22-.Ltmp10, $4  }
0x25c: {  	vm4 =	vlt.u32 v0, $0x8280;
	v1 =	vadd.s32 $0xFFFF7D80, v11;
	[tilespmem:s11+$0x0] =	vst.add.f32.msk $0xffff, v6  }
0x25d: {  	v6 =	vadd.s32 $0xFFFF7D80, v12;
	vm5 =	vlt.u32 v1, $0x8280;
	[tilespmem:s12+$0xFFFFFFD0] =	vst.add.f32.msk $0xffff, v4  }
0x25e: {  	vm6 =	vlt.u32 v6, $0x8280;
	[tilespmem:s12+$0xFFFFFFE0] =	vst.add.f32.msk $0xffff, v8  }
0x25f: {  	s13 =	sadd.s32 $0x40, s13;
	v4 =	vnsel vm3, $0x0, v13;
	[tilespmem:s12+$0xFFFFFFF0] =	vst.add.f32.msk $0xffff, v10;
	vm3 =	vmmov vm6;
	s12 =	smov.u32 s11  }
0x260: {  	_ =	sdelay $0x1  }
0x261: {  	vm4 =	vmmov vm4  }
0x262: {  	vm5 =	vmmov vm5;
	_ =	sdelay $0x1  }
0x263: {  	v3 =	vld.idx.msk [tilespmem:v3+s30+$0x0], vm2  }
0x264: {  	v6 =	vld.idx.msk [tilespmem:v6+s30+$0x0], vm3  }
0x265: {  	[tilespmem:s12+$0xFFFFFFD0] =	vst.add.f32.msk $0xffff, v4  }
0x266: {  	v0 =	vld.idx.msk [tilespmem:v0+s30+$0x0], vm4  }
0x267: {  	v2 =	vnsel vm0, $0x0, v2;
	v1 =	vld.idx.msk [tilespmem:v1+s30+$0x0], vm5  }
0x268: {  	s11 =	sadd.s32 $0x40, s11;
	[tilespmem:s12+$0xFFFFFFE0] =	vst.add.f32.msk $0xffff, v2;
	v3 =	vnsel vm2, $0x0, v3  }
0x269: {  	v2 =	vnsel vm3, $0x0, v6;
	[tilespmem:s11+$0x0] =	vst.add.f32.msk $0xffff, v3  }
0x26a: {  	v3 =	vnsel vm1, $0x0, v5;
	[tilespmem:s11+$0xFFFFFFD0] =	vst.add.f32.msk $0xffff, v2  }
0x26b: {  	[tilespmem:s12+$0xFFFFFFF0] =	vst.add.f32.msk $0xffff, v3;
	v0 =	vnsel vm4, $0x0, v0  }
0x26c: {  	v1 =	vnsel vm5, $0x0, v1;
	[tilespmem:s11+$0xFFFFFFE0] =	vst.add.f32.msk $0xffff, v0  }
0x26d: {  	[tilespmem:s11+$0xFFFFFFF0] =	vst.add.f32.msk $0xffff, v1  }
0x26e: {  	_ =	swait.ge [sflag:s4], $0x8180  }
0x26f: {  	[sflag:s4] =	ssyncset.done $0x0  }
0x270: {  	[sflag:s4] =	ssyncadd.s32 $0xFFFF7E80  }
0x271: {  	_ =	swait.ge [sflag:s4], $0x80  }
0x272: {  	[sflag:s4] =	ssyncset.done $0x0  }
0x273: {  	s15 =	simm.s32 $0x20;
	[sflag:s4] =	ssyncadd.s32 $0xFFFFFF80  }
0x274: {  	v0 =	vld [tilespmem:s15+$0x10]  }
0x275: {  	v1 =	vld [tilespmem:s15+$0xFFFFFFE0]  }
0x276: {  	v2 =	vld [tilespmem:s15+$0xFFFFFFF0]  }
0x277: {  	v3 =	vld [tilespmem:s15+$0x0];
	_ =	sdelay $0x1  }
0x278: {  	v0 =	vadd.s32 $0xFFFEFB00, v0  }
0x279: {  	v1 =	vadd.s32 $0xFFFEFB00, v1;
	vm3 =	vlt.u32 v0, $0x81A0  }
0x27a: {  	v2 =	vadd.s32 $0xFFFEFB00, v2;
	vm0 =	vlt.u32 v1, $0x81A0  }
0x27b: {  	s16 =	simm.s32 $0x60;
	v5 =	vadd.s32 $0xFFFEFB00, v3;
	vm6 =	vmmov vm0;
	vm0 =	vlt.u32 v2, $0x81A0  }
0x27c: {  	v4 =	vld [tilespmem:s16+$0x10];
	vm1 =	vlt.u32 v5, $0x81A0;
	vm0 =	vmmov vm0  }
0x27d: {  	v7 =	vld [tilespmem:s16+$0xFFFFFFE0];
	vm1 =	vmmov vm1  }
0x27e: {  	v8 =	vld [tilespmem:s16+$0x0]  }
0x27f: {  	v6 =	vld.idx.msk [tilespmem:v0+s0+$0x0], vm3  }
0x280: {  	v0 =	vld [tilespmem:s16+$0xFFFFFFF0]  }
0x281: {  	v3 =	vadd.s32 $0xFFFEFB00, v4;
	v9 =	vld.idx.msk [tilespmem:v1+s0+$0x0], vm6  }
0x282: {  	vm2 =	vlt.u32 v3, $0x81A0;
	v2 =	vld.idx.msk [tilespmem:v2+s0+$0x0], vm0  }
0x283: {  	v5 =	vld.idx.msk [tilespmem:v5+s0+$0x0], vm1  }
0x284: {  	v1 =	vadd.s32 $0xFFFEFB00, v8;
	v4 =	vnsel vm3, $0x0, v6;
	v6 =	vadd.s32 $0xFFFEFB00, v7  }
0x285: {  	s11 =	simm.s32 $0x18530;
	vm5 =	vlt.u32 v1, $0x81A0;
	v0 =	vadd.s32 $0xFFFEFB00, v0;
	vm3 =	vlt.u32 v6, $0x81A0  }
0x286: {  	s31 =	simm.s32 $0x40;
	s13 =	simm.s32 $0xA0;
	s12 =	simm.s32 $0x18530;
	vm4 =	vlt.u32 v0, $0x81A0;
	[tilespmem:s11+$0x0] =	vst.add.f32.msk $0xffff, v4;
	v4 =	vnsel vm6, $0x0, v9;
	vm3 =	vmmov vm3  }
.LBB2_24:
0x287: {  	v7 =	vld [tilespmem:s13+$0x10];
	v8 =	vnsel vm0, $0x0, v2;
	vm0 =	vmmov vm4  }
0x288: {  	s31 =	sadd.s32 $0x40, s31;
	v10 =	vnsel vm1, $0x0, v5;
	vm1 =	vmmov vm5;
	v9 =	vld.idx.msk [tilespmem:v3+s0+$0x0], vm2  }
0x289: {  	p1 =	slt.u32 s31, $0x3FC0;
	v5 =	vld [tilespmem:s13+$0xFFFFFFF0]  }
0x28a: {  	v11 =	vld [tilespmem:s13+$0x0]  }
0x28b: {  	v12 =	vld [tilespmem:s13+$0xFFFFFFE0]  }
0x28c: {  	v13 =	vld.idx.msk [tilespmem:v6+s0+$0x0], vm3  }
0x28d: {  	v3 =	vadd.s32 $0xFFFEFB00, v7;
	v2 =	vld.idx.msk [tilespmem:v0+s0+$0x0], vm4  }
.Ltmp11:
0x28e: {  	s11 =	sadd.s32 $0x40, s11;
	v6 =	vnsel vm2, $0x0, v9;
	vm2 =	vlt.u32 v3, $0x81A0;
	v0 =	vadd.s32 $0xFFFEFB00, v5;
	v5 =	vld.idx.msk [tilespmem:v1+s0+$0x0], vm5;
	(pc) =	sbr.rel @p1 .LBB2_24-.Ltmp11, $4  }
0x28f: {  	vm4 =	vlt.u32 v0, $0x81A0;
	v1 =	vadd.s32 $0xFFFEFB00, v11;
	[tilespmem:s11+$0x0] =	vst.add.f32.msk $0xffff, v6  }
0x290: {  	v6 =	vadd.s32 $0xFFFEFB00, v12;
	vm5 =	vlt.u32 v1, $0x81A0;
	[tilespmem:s12+$0xFFFFFFD0] =	vst.add.f32.msk $0xffff, v4  }
0x291: {  	vm6 =	vlt.u32 v6, $0x81A0;
	[tilespmem:s12+$0xFFFFFFE0] =	vst.add.f32.msk $0xffff, v8  }
0x292: {  	s13 =	sadd.s32 $0x40, s13;
	v4 =	vnsel vm3, $0x0, v13;
	[tilespmem:s12+$0xFFFFFFF0] =	vst.add.f32.msk $0xffff, v10;
	vm3 =	vmmov vm6;
	s12 =	smov.u32 s11  }
0x293: {  	_ =	sdelay $0x1  }
0x294: {  	vm4 =	vmmov vm4  }
0x295: {  	vm5 =	vmmov vm5;
	_ =	sdelay $0x1  }
0x296: {  	v3 =	vld.idx.msk [tilespmem:v3+s0+$0x0], vm2  }
0x297: {  	v6 =	vld.idx.msk [tilespmem:v6+s0+$0x0], vm3  }
0x298: {  	[tilespmem:s12+$0xFFFFFFD0] =	vst.add.f32.msk $0xffff, v4  }
0x299: {  	v0 =	vld.idx.msk [tilespmem:v0+s0+$0x0], vm4  }
0x29a: {  	v2 =	vnsel vm0, $0x0, v2;
	v1 =	vld.idx.msk [tilespmem:v1+s0+$0x0], vm5  }
0x29b: {  	v62 =	vnsel vm1, $0x0, v5;
	[tilespmem:s12+$0xFFFFFFE0] =	vst.add.f32.msk $0xffff, v2  }
0x29c: {  	s11 =	sadd.s32 $0x40, s11;
	[tilespmem:s12+$0xFFFFFFF0] =	vst.add.f32.msk $0xffff, v62;
	v3 =	vnsel vm2, $0x0, v3  }
0x29d: {  	v63 =	vnsel vm3, $0x0, v6;
	[tilespmem:s11+$0x0] =	vst.add.f32.msk $0xffff, v3  }
0x29e: {  	[tilespmem:s11+$0xFFFFFFD0] =	vst.add.f32.msk $0xffff, v63;
	v0 =	vnsel vm4, $0x0, v0  }
0x29f: {  	v1 =	vnsel vm5, $0x0, v1;
	[tilespmem:s11+$0xFFFFFFE0] =	vst.add.f32.msk $0xffff, v0  }
0x2a0: {  	s10 =	sadd.s32 $0x1, s10;
	[tilespmem:s11+$0xFFFFFFF0] =	vst.add.f32.msk $0xffff, v1  }
0x2a1: {  	[hbm4b:s23+s28] =	stream.strided.scatter [tilespmem:s7], [sflag:$0x4], $0x4000, s29, s28, $0x38;
	[tilespmem:$0x1CD00] =	vst v63  }
0x2a2: {  	p1 =	sne.s32 s10, s25;
	_ =	swait.ge [sflag:s8], $0x4000  }
.Ltmp12:
0x2a3: {  	[sflag:s8] =	ssyncset.done $0x0;
	(pc) =	sbr.rel @p1 .LBB2_1-.Ltmp12, $4  }
0x2a4: {  	[sflag:s8] =	ssyncadd.s32 $0xFFFFC000  }
0x2a5: {  	_ =	swait.ge [sflag:s9], $0x4000  }
0x2a6: {  	[sflag:s9] =	ssyncset.done $0x0  }
0x2a7: {  	[sflag:s9] =	ssyncadd.s32 $0xFFFFC000  }
0x2a8: {  	_ =	sfence.sel $0x180000  }
0x2a9: {  	[bflag:$0x0] =	sbarrier.arrive $0xFFFF  }
0x2aa: {  	_ =	strace $0x90000047  }
0x2ab: {  	[bflag:$0x2] =	sbarrier.arrive $0xFFFF  }
0x2ac: {  	s0 =	rddreg [dreg:$0x5]  }
0x2ad: {  	s0 =	sadd.s32 @!p0 $0x100000, s0  }
0x2ae: {  	[sflag:s0] =	ssyncadd.tile.s32 @!p0 $0x1;
	_ =	shalt  }
.Lfunc_end2:
_tile_overlayer_lowered:
.L_overlay_start_2:
0x2af: {  	(tag) =	ssettag $0x2  }
0x2b0: {  	s0 =	rddreg [dreg:$0x0];
	s2 =	stileid.u32  }
0x2b1: {  	s1 =	rddreg [dreg:$0x1];
	p0 =	sne.s32 s2, $0x0  }
0x2b2: {  	s3 =	rddreg [dreg:$0x2];
	[bflag:$0x3] =	sbarrier.arrive $0xFFFF;
	s2 =	simm.s32 @!p0 $0x1C05  }
0x2b3: {  	[timem:s3], [sflag:s2] =	dma.local @!p0 [hbm:s0], s1  }
0x2b4: {  	s0 =	simm.s32 @!p0 $0x5  }
0x2b5: {  	_ =	swait.ge @!p0 [sflag:s0], s1  }
0x2b6: {  	s1 =	ssub.s32 @!p0 $0x0, s1;
	[sflag:s0] =	ssyncset.done @!p0 $0x0  }
0x2b7: {  	[sflag:s0] =	ssyncadd.s32 @!p0 s1  }
0x2b8: {  	[bflag:$0x3] =	sbarrier.arrive $0xFFFF  }
0x2b9: {  	_ =	shalt  }

</sc_bundles>
